<compile_context>
chip_gen: v7x
topology: tpu7x:2x2x1
jax: 0.10.2.dev20260603
libtpu: 0.0.44.dev20260713+nightly
codegen_flags: <defaults>
</compile_context>

<pallas_src>
import jax
import jax.numpy as jnp
from jax import lax
from jax.experimental import pallas as pl
from jax.experimental.pallas import tpu as pltpu
from jax.experimental.pallas import tpu_sc as plsc

N_NODES = 10000
F = 128
N_EDGES = 320000

NC = 2
NS = 16
NW = NC * NS
MC = 64
MNC = 160
DC = 128
DNC = 80
MIB = 16
MNB = MNC // MIB
NBUF = 4
EPW = MNC * MC
E_PAD = NW * EPW
N_ACC = 10240
RPT = N_ACC // NS

R = 2000
GRID = N_NODES // R

_MESH = plsc.VectorSubcoreMesh(core_axis_name="c", subcore_axis_name="s")


def _deg_body(ei_hbm, deg_out, idx_v, ones_v, zer_v, deg_sh):
    c = lax.axis_index("c")
    s = lax.axis_index("s")
    wid = s * NC + c
    one16 = jnp.ones((16,), jnp.float32)
    zero16 = jnp.zeros((16,), jnp.float32)

    @pl.loop(0, DC // 16)
    def _(i):
        ones_v[pl.ds(i * 16, 16)] = one16

    @pl.loop(0, RPT // 16)
    def _(i):
        zer_v[pl.ds(i * 16, 16)] = zero16

    pltpu.sync_copy(ei_hbm.at[1, wid], idx_v)
    pltpu.sync_copy(zer_v, deg_sh.at[pl.ds(s * RPT, RPT)])
    plsc.subcore_barrier()

    @pl.loop(0, DNC)
    def _(j):
        pltpu.sync_copy(ones_v, deg_sh.at[idx_v.at[j]], add=True)

    plsc.subcore_barrier()
    pltpu.sync_copy(deg_sh.at[pl.ds(s * RPT, RPT)],
                    deg_out.at[c, pl.ds(s * RPT, RPT)])


_deg_kernel = pl.kernel(
    _deg_body,
    out_type=jax.ShapeDtypeStruct((NC, N_ACC), jnp.float32),
    mesh=_MESH,
    scratch_types=[
        pltpu.VMEM((DNC, DC), jnp.int32),
        pltpu.VMEM((DC,), jnp.float32),
        pltpu.VMEM((RPT,), jnp.float32),
        pltpu.VMEM_SHARED((N_ACC,), jnp.float32),
    ],
)


def _msg_body(ei_hbm, y_hbm, acc_out,
              sidx_v, didx_v, rows_v, zrow_v, acc_sh, sems):
    c = lax.axis_index("c")
    s = lax.axis_index("s")
    wid = s * NC + c
    zero16 = jnp.zeros((16,), jnp.float32)

    @pl.loop(0, 16 * F // 16)
    def _(i):
        zrow_v[i // 8, pl.ds((i % 8) * 16, 16)] = zero16

    @pl.loop(0, RPT // 16)
    def _(k):
        pltpu.sync_copy(zrow_v, acc_sh.at[pl.ds(s * RPT + k * 16, 16), :])

    plsc.subcore_barrier()

    pltpu.sync_copy(ei_hbm.at[0, wid, 0], sidx_v.at[0])
    pltpu.sync_copy(ei_hbm.at[1, wid, 0], didx_v.at[0])
    for b in range(NBUF):
        pltpu.async_copy(y_hbm.at[sidx_v.at[0, b]], rows_v.at[b], sems[b])

    @pl.loop(0, MNC // NBUF)
    def _(g):
        blk = (g + 3) // 4
        reload = jnp.logical_and(g % 4 == 1, blk < MNB)

        @pl.when(reload)
        def _():
            pltpu.sync_copy(ei_hbm.at[0, wid, blk], sidx_v.at[blk % 2])
            pltpu.sync_copy(ei_hbm.at[1, wid, blk], didx_v.at[blk % 2])

        for b in range(NBUF):
            cc = g * NBUF + b
            pltpu.make_async_copy(
                y_hbm.at[sidx_v.at[(cc // MIB) % 2, cc % MIB]],
                rows_v.at[b], sems[b]).wait()
            pltpu.sync_copy(
                rows_v.at[b],
                acc_sh.at[didx_v.at[(cc // MIB) % 2, cc % MIB]], add=True)
            nc = cc + NBUF

            @pl.when(nc < MNC)
            def _():
                pltpu.async_copy(
                    y_hbm.at[sidx_v.at[(nc // MIB) % 2, nc % MIB]],
                    rows_v.at[b], sems[b])

    plsc.subcore_barrier()
    pltpu.sync_copy(acc_sh.at[pl.ds(s * RPT, RPT), :],
                    acc_out.at[c, pl.ds(s * RPT, RPT), :])


_msg_kernel = pl.kernel(
    _msg_body,
    out_type=jax.ShapeDtypeStruct((NC, N_ACC, F), jnp.float32),
    mesh=_MESH,
    scratch_types=[
        pltpu.VMEM((2, MIB, MC), jnp.int32),
        pltpu.VMEM((2, MIB, MC), jnp.int32),
        pltpu.VMEM((NBUF, MC, F), jnp.float32),
        pltpu.VMEM((16, F), jnp.float32),
        pltpu.VMEM_SHARED((N_ACC, F), jnp.float32),
        [pltpu.SemaphoreType.DMA] * NBUF,
    ],
)


def _dis_of(degp):
    return lax.rsqrt(degp[:, 0:1] + degp[:, 1:2] + 1.0)


def _tc_a_body(emb_ref, w_ref, degp_ref, y_ref):
    dis = _dis_of(degp_ref[...])
    x = lax.dot_general(emb_ref[...], w_ref[...],
                        (((1,), (1,)), ((), ())),
                        preferred_element_type=jnp.float32)
    y_ref[...] = x * dis


_tc_a = pl.pallas_call(
    _tc_a_body,
    grid=(GRID,),
    in_specs=[
        pl.BlockSpec((R, F), lambda i: (i, 0)),
        pl.BlockSpec((F, F), lambda i: (0, 0)),
        pl.BlockSpec((R, NC), lambda i: (i, 0)),
    ],
    out_specs=pl.BlockSpec((R, F), lambda i: (i, 0)),
    out_shape=jax.ShapeDtypeStruct((N_NODES, F), jnp.float32),
)


def _tc_b_body(acc_ref, y_ref, degp_ref, b_ref, o_ref):
    dis = _dis_of(degp_ref[...])
    o_ref[...] = dis * (acc_ref[0] + acc_ref[1] + y_ref[...]) + b_ref[...]


_tc_b = pl.pallas_call(
    _tc_b_body,
    grid=(GRID,),
    in_specs=[
        pl.BlockSpec((NC, R, F), lambda i: (0, i, 0)),
        pl.BlockSpec((R, F), lambda i: (i, 0)),
        pl.BlockSpec((R, NC), lambda i: (i, 0)),
        pl.BlockSpec((1, F), lambda i: (0, 0)),
    ],
    out_specs=pl.BlockSpec((R, F), lambda i: (i, 0)),
    out_shape=jax.ShapeDtypeStruct((N_NODES, F), jnp.float32),
)


def kernel(embedding, up2down_edge_index, W, b):
    eidx = up2down_edge_index.astype(jnp.int32)
    npad = E_PAD - eidx.shape[1]
    ar = jnp.arange(npad, dtype=jnp.int32)
    pads = jnp.stack([(ar * 131) % N_NODES,
                      N_NODES + ar % (N_ACC - N_NODES)])
    ei = jnp.concatenate([eidx, pads], axis=1)
    ei5 = ei.reshape(2, NW, MNB, MIB, MC)
    ei3 = ei.reshape(2, NW, DNC, DC)

    deg_parts = _deg_kernel(ei3)
    degp = deg_parts.T
    y = _tc_a(embedding, W, degp)
    acc_parts = _msg_kernel(ei5, y)
    out = _tc_b(acc_parts, y, degp, b.reshape(1, F))
    return out

# --- scband reference (transcript-rebuilt; emitter-appended) ---
"""Pipeline reference for scband-up2-down-layer-82669530513964 (READ-ONLY COPY).

The authoritative reference and input builder live on the scoring server;
editing this copy changes nothing except your own understanding.
"""

import jax, jax.numpy as jnp
import numpy as np

N_NODES = 10000
N_EDGES = 320000
IN_SIZE = 128
OUT_SIZE = 128


def setup_inputs(seed: int = 0) -> dict:
    key = jax.random.key(seed)
    k1, k2, k3, k4 = jax.random.split(key, 4)
    embedding = jax.random.normal(k1, (N_NODES, IN_SIZE), dtype=jnp.float32)
    up2down_edge_index = jax.random.randint(k2, (2, N_EDGES), 0, N_NODES, dtype=jnp.int64)
    # GCNConv parameters: lin.weight [out, in] (PyG convention, no bias in lin), conv bias [out]
    W = jax.random.normal(k3, (OUT_SIZE, IN_SIZE), dtype=jnp.float32) * (1.0 / np.sqrt(IN_SIZE))
    b = jnp.zeros((OUT_SIZE,), dtype=jnp.float32)
    return {"embedding": embedding, "up2down_edge_index": up2down_edge_index, "W": W, "b": b}


def reference(embedding, up2down_edge_index, W, b):
    # Faithful JAX translation of torch_geometric GCNConv forward with
    # add_self_loops=True, normalize=True, symmetric normalization.
    N = embedding.shape[0]
    src = up2down_edge_index[0]
    dst = up2down_edge_index[1]
    # add self loops
    loop = jnp.arange(N, dtype=src.dtype)
    src = jnp.concatenate([src, loop], axis=0)
    dst = jnp.concatenate([dst, loop], axis=0)
    # linear transform: x @ W^T
    x = embedding @ W.T
    # symmetric degree normalization (degree counted on dst, edge_weight = 1)
    ones = jnp.ones(src.shape[0], dtype=x.dtype)
    deg = jnp.zeros((N,), dtype=x.dtype).at[dst].add(ones)
    deg_inv_sqrt = jnp.where(deg > 0, jax.lax.rsqrt(jnp.where(deg > 0, deg, 1.0)), 0.0)
    norm = deg_inv_sqrt[src] * deg_inv_sqrt[dst]
    # message: gather source features, scale by norm
    msgs = x[src] * norm[:, None]
    # aggregate: scatter-add into destination nodes
    out = jnp.zeros((N, x.shape[1]), dtype=x.dtype).at[dst].add(msgs)
    out = out + b
    return out


if False:  # reference __main__ guard neutralized (emitter)
    inp = setup_inputs()
    o = reference(**inp)
    print(o.shape, o.dtype)

if __name__ == "__main__":
    import jax
    _d = setup_inputs()
    print(jax.jit(kernel)(*tuple(_d.values())))

</pallas_src>

<mosaic_0001>
#map = affine_map<(d0, d1) -> (0, 0, 0, 0, 0)>
#map1 = affine_map<(d0, d1) -> (0, 0)>
#map2 = affine_map<(d0, d1) -> (0, 0, 0)>
module attributes {stable_mosaic.version = 14 : i64} {
  func.func @_msg_body(%arg0: i32, %arg1: i32, %arg2: memref<2x32x10x16x64xi32, #tpu.memory_space<hbm>>, %arg3: memref<10000x128xf32, #tpu.memory_space<hbm>>, %arg4: memref<2x10240x128xf32, #tpu.memory_space<hbm>>, %arg5: memref<2x16x64xi32, #tpu.memory_space<vmem>>, %arg6: memref<2x16x64xi32, #tpu.memory_space<vmem>>, %arg7: memref<4x64x128xf32, #tpu.memory_space<vmem>>, %arg8: memref<16x128xf32, #tpu.memory_space<vmem>>, %arg9: memref<10240x128xf32, #tpu.memory_space<vmem_shared>>, %arg10: memref<!tpu.dma_semaphore, #tpu.memory_space<semaphore_mem>>, %arg11: memref<!tpu.dma_semaphore, #tpu.memory_space<semaphore_mem>>, %arg12: memref<!tpu.dma_semaphore, #tpu.memory_space<semaphore_mem>>, %arg13: memref<!tpu.dma_semaphore, #tpu.memory_space<semaphore_mem>>) attributes {dimension_semantics = [#tpu.dimension_semantics<core_parallel>, #tpu.dimension_semantics<subcore_parallel>], iteration_bounds = array<i64: 2, 16>, scalar_prefetch = 0 : i64, scratch_operands = 9 : i64, tpu.core_type = #tpu.core_type<sc_vector_subcore>, window_params = [{transform_indices = #map}, {transform_indices = #map1}, {transform_indices = #map2}]} {
    %mul3A = arith.constant 2 : i32
    %mul3A_0 = arith.muli %arg1, %mul3A : i32
    %add3A = arith.addi %mul3A_0, %arg0 : i32
    %broadcast_in_dim3A = arith.constant 0.000000e+00 : f32
    %broadcast_in_dim3A_1 = vector.broadcast %broadcast_in_dim3A : f32 to vector<16xf32>
    %scan3A = arith.constant 0 : i32
    %scan3A_2 = arith.constant 128 : i32
    %scan3A_3 = arith.addi %scan3A, %scan3A_2 : i32
    %scan3A_4 = arith.constant 1 : i32
    scf.for %scan3A_77 = %scan3A to %scan3A_3 step %scan3A_4  : i32 {
      %mul3A_78 = arith.constant 1 : i32
      %mul3A_79 = arith.muli %scan3A_77, %mul3A_78 : i32
      %add3A_80 = arith.constant 0 : i32
      %add3A_81 = arith.addi %add3A_80, %mul3A_79 : i32
      %jit3A = arith.constant 8 : i32
      %div3A = arith.divsi %add3A_81, %jit3A : i32
      %sign3A = arith.constant 0 : i32
      %sign3A_82 = arith.cmpi sgt, %add3A_81, %sign3A : i32
      %sign3A_83 = arith.extui %sign3A_82 : i1 to i32
      %sign3A_84 = arith.constant 0 : i32
      %sign3A_85 = arith.cmpi slt, %add3A_81, %sign3A_84 : i32
      %sign3A_86 = arith.extui %sign3A_85 : i1 to i32
      %sign3A_87 = arith.subi %sign3A_83, %sign3A_86 : i32
      %sign3A_88 = arith.constant 0 : i32
      %sign3A_89 = arith.cmpi sgt, %jit3A, %sign3A_88 : i32
      %sign3A_90 = arith.extui %sign3A_89 : i1 to i32
      %sign3A_91 = arith.constant 0 : i32
      %sign3A_92 = arith.cmpi slt, %jit3A, %sign3A_91 : i32
      %sign3A_93 = arith.extui %sign3A_92 : i1 to i32
      %sign3A_94 = arith.subi %sign3A_90, %sign3A_93 : i32
      %ne3A = arith.cmpi ne, %sign3A_87, %sign3A_94 : i32
      %rem3A = arith.remsi %add3A_81, %jit3A : i32
      %ne3A_95 = arith.constant 0 : i32
      %ne3A_96 = arith.cmpi ne, %rem3A, %ne3A_95 : i32
      %and3A = arith.andi %ne3A, %ne3A_96 : i1
      %sub3A = arith.constant 1 : i32
      %sub3A_97 = arith.subi %div3A, %sub3A : i32
      %select_n3A = arith.select %and3A, %sub3A_97, %div3A : i32
      %jit3A_98 = arith.constant 8 : i32
      %eq3A = arith.constant 0 : i32
      %eq3A_99 = arith.cmpi eq, %jit3A_98, %eq3A : i32
      %jit3A_100 = arith.constant 1 : i32
      %select_n3A_101 = arith.select %eq3A_99, %jit3A_100, %jit3A_98 : i32
      %rem3A_102 = arith.remsi %add3A_81, %select_n3A_101 : i32
      %ne3A_103 = arith.constant 0 : i32
      %ne3A_104 = arith.cmpi ne, %rem3A_102, %ne3A_103 : i32
      %lt3A = arith.constant 0 : i32
      %lt3A_105 = arith.cmpi slt, %rem3A_102, %lt3A : i32
      %lt3A_106 = arith.constant 0 : i32
      %lt3A_107 = arith.cmpi slt, %select_n3A_101, %lt3A_106 : i32
      %ne3A_108 = arith.xori %lt3A_105, %lt3A_107 : i1
      %and3A_109 = arith.andi %ne3A_108, %ne3A_104 : i1
      %add3A_110 = arith.addi %rem3A_102, %select_n3A_101 : i32
      %select_n3A_111 = arith.select %and3A_109, %add3A_110, %rem3A_102 : i32
      %mul3A_112 = arith.constant 16 : i32
      %mul3A_113 = arith.muli %select_n3A_111, %mul3A_112 : i32
      %swap3A = arith.index_cast %select_n3A : i32 to index
      %swap3A_114 = arith.index_cast %mul3A_113 : i32 to index
      %swap3A_115 = tpu.vector_load %arg8[%swap3A, %swap3A_114] {strides = array<i32>} : memref<16x128xf32, #tpu.memory_space<vmem>>, vector<1x16xf32>,
      %swap3A_116 = vector.shape_cast %swap3A_115 : vector<1x16xf32> to vector<16xf32>
      %swap3A_117 = vector.shape_cast %broadcast_in_dim3A_1 : vector<16xf32> to vector<1x16xf32>
      tpu.vector_store %arg8[%swap3A, %swap3A_114], %swap3A_117 {strides = array<i32>} : memref<16x128xf32, #tpu.memory_space<vmem>>, vector<1x16xf32>,
    }
    %scan3A_5 = arith.constant 128 : i32
    %scan3A_6 = arith.constant 0 : i32
    %scan3A_7 = arith.constant 40 : i32
    %scan3A_8 = arith.addi %scan3A_6, %scan3A_7 : i32
    %scan3A_9 = arith.constant 1 : i32
    scf.for %scan3A_77 = %scan3A_6 to %scan3A_8 step %scan3A_9  : i32 {
      %mul3A_78 = arith.constant 1 : i32
      %mul3A_79 = arith.muli %scan3A_77, %mul3A_78 : i32
      %add3A_80 = arith.constant 0 : i32
      %add3A_81 = arith.addi %add3A_80, %mul3A_79 : i32
      %mul3A_82 = arith.constant 640 : i32
      %mul3A_83 = arith.muli %arg1, %mul3A_82 : i32
      %mul3A_84 = arith.constant 16 : i32
      %mul3A_85 = arith.muli %add3A_81, %mul3A_84 : i32
      %add3A_86 = arith.addi %mul3A_83, %mul3A_85 : i32
      "tpu.region"() ({
        %run_scoped3A_87 = tpu.sem_alloc : memref<!tpu.dma_semaphore, #tpu.memory_space<semaphore_mem>>
        %dma_start3A_88 = arith.constant 0 : i32
        %dma_start3A_89 = tpu.memref_slice %arg9[%add3A_86, %dma_start3A_88] : memref<10240x128xf32, #tpu.memory_space<vmem_shared>> -> memref<16x128xf32, #tpu.memory_space<vmem_shared>>
        %dma_start3A_90 = arith.constant 0 : i32
        %dma_start3A_91 = tpu.memref_slice %arg9[%add3A_86, %dma_start3A_90] : memref<10240x128xf32, #tpu.memory_space<vmem_shared>> -> memref<16x128xf32, #tpu.memory_space<vmem_shared>>
        tpu.enqueue_dma source(%arg8 : memref<16x128xf32, #tpu.memory_space<vmem>>) target(%dma_start3A_91 : memref<16x128xf32, #tpu.memory_space<vmem_shared>>) target_semaphore(%run_scoped3A_87 : memref<!tpu.dma_semaphore, #tpu.memory_space<semaphore_mem>>)
        %dma_wait3A = arith.constant 0 : i32
        %dma_wait3A_92 = tpu.memref_slice %arg9[%add3A_86, %dma_wait3A] : memref<10240x128xf32, #tpu.memory_space<vmem_shared>> -> memref<16x128xf32, #tpu.memory_space<vmem_shared>>
        %dma_wait3A_93 = arith.constant 0 : i32
        %dma_wait3A_94 = tpu.memref_slice %arg9[%add3A_86, %dma_wait3A_93] : memref<10240x128xf32, #tpu.memory_space<vmem_shared>> -> memref<16x128xf32, #tpu.memory_space<vmem_shared>>
        tpu.wait_dma2 semaphore(%run_scoped3A_87 : memref<!tpu.dma_semaphore, #tpu.memory_space<semaphore_mem>>) src(%arg8 : memref<16x128xf32, #tpu.memory_space<vmem>>) dst(%dma_wait3A_94 : memref<16x128xf32, #tpu.memory_space<vmem_shared>>)
        tpu.yield
      }) : () -> ()
    }
    %scan3A_10 = arith.constant 40 : i32
    %barrier3A = arith.constant 0 : index
    tpu.barrier barrier_id(%barrier3A)
    %run_scoped3A = arith.constant 0 : i32
    %run_scoped3A_11 = arith.constant 0 : i32
    %run_scoped3A_12 = arith.constant 0 : i32
    "tpu.region"() ({
      %run_scoped3A_77 = tpu.sem_alloc : memref<!tpu.dma_semaphore, #tpu.memory_space<semaphore_mem>>
      %dma_start3A_78 = arith.constant 0 : i32
      %dma_start3A_79 = arith.constant 0 : i32
      %dma_start3A_80 = tpu.memref_slice %arg5[%run_scoped3A_12, %dma_start3A_78, %dma_start3A_79] : memref<2x16x64xi32, #tpu.memory_space<vmem>> -> memref<1x16x64xi32, #tpu.memory_space<vmem>>
      %dma_start3A_81 = tpu.memref_squeeze %dma_start3A_80 : memref<1x16x64xi32, #tpu.memory_space<vmem>> -> memref<16x64xi32, #tpu.memory_space<vmem>>
      %dma_start3A_82 = arith.constant 0 : i32
      %dma_start3A_83 = arith.constant 0 : i32
      %dma_start3A_84 = tpu.memref_slice %arg2[%run_scoped3A, %add3A, %run_scoped3A_11, %dma_start3A_82, %dma_start3A_83] : memref<2x32x10x16x64xi32, #tpu.memory_space<hbm>> -> memref<1x1x1x16x64xi32, #tpu.memory_space<hbm>>
      %dma_start3A_85 = tpu.memref_squeeze %dma_start3A_84 : memref<1x1x1x16x64xi32, #tpu.memory_space<hbm>> -> memref<16x64xi32, #tpu.memory_space<hbm>>
      %dma_start3A_86 = arith.constant 0 : i32
      %dma_start3A_87 = arith.constant 0 : i32
      %dma_start3A_88 = tpu.memref_slice %arg5[%run_scoped3A_12, %dma_start3A_86, %dma_start3A_87] : memref<2x16x64xi32, #tpu.memory_space<vmem>> -> memref<1x16x64xi32, #tpu.memory_space<vmem>>
      %dma_start3A_89 = tpu.memref_squeeze %dma_start3A_88 : memref<1x16x64xi32, #tpu.memory_space<vmem>> -> memref<16x64xi32, #tpu.memory_space<vmem>>
      %dma_start3A_90 = arith.constant 0 : i32
      %dma_start3A_91 = arith.constant 0 : i32
      %dma_start3A_92 = tpu.memref_slice %arg2[%run_scoped3A, %add3A, %run_scoped3A_11, %dma_start3A_90, %dma_start3A_91] : memref<2x32x10x16x64xi32, #tpu.memory_space<hbm>> -> memref<1x1x1x16x64xi32, #tpu.memory_space<hbm>>
      %dma_start3A_93 = tpu.memref_squeeze %dma_start3A_92 : memref<1x1x1x16x64xi32, #tpu.memory_space<hbm>> -> memref<16x64xi32, #tpu.memory_space<hbm>>
      tpu.enqueue_dma source(%dma_start3A_93 : memref<16x64xi32, #tpu.memory_space<hbm>>) target(%dma_start3A_89 : memref<16x64xi32, #tpu.memory_space<vmem>>) target_semaphore(%run_scoped3A_77 : memref<!tpu.dma_semaphore, #tpu.memory_space<semaphore_mem>>)
      %dma_wait3A = arith.constant 0 : i32
      %dma_wait3A_94 = arith.constant 0 : i32
      %dma_wait3A_95 = tpu.memref_slice %arg5[%run_scoped3A_12, %dma_wait3A, %dma_wait3A_94] : memref<2x16x64xi32, #tpu.memory_space<vmem>> -> memref<1x16x64xi32, #tpu.memory_space<vmem>>
      %dma_wait3A_96 = tpu.memref_squeeze %dma_wait3A_95 : memref<1x16x64xi32, #tpu.memory_space<vmem>> -> memref<16x64xi32, #tpu.memory_space<vmem>>
      %dma_wait3A_97 = arith.constant 0 : i32
      %dma_wait3A_98 = arith.constant 0 : i32
      %dma_wait3A_99 = tpu.memref_slice %arg2[%run_scoped3A, %add3A, %run_scoped3A_11, %dma_wait3A_97, %dma_wait3A_98] : memref<2x32x10x16x64xi32, #tpu.memory_space<hbm>> -> memref<1x1x1x16x64xi32, #tpu.memory_space<hbm>>
      %dma_wait3A_100 = tpu.memref_squeeze %dma_wait3A_99 : memref<1x1x1x16x64xi32, #tpu.memory_space<hbm>> -> memref<16x64xi32, #tpu.memory_space<hbm>>
      %dma_wait3A_101 = arith.constant 0 : i32
      %dma_wait3A_102 = arith.constant 0 : i32
      %dma_wait3A_103 = tpu.memref_slice %arg5[%run_scoped3A_12, %dma_wait3A_101, %dma_wait3A_102] : memref<2x16x64xi32, #tpu.memory_space<vmem>> -> memref<1x16x64xi32, #tpu.memory_space<vmem>>
      %dma_wait3A_104 = tpu.memref_squeeze %dma_wait3A_103 : memref<1x16x64xi32, #tpu.memory_space<vmem>> -> memref<16x64xi32, #tpu.memory_space<vmem>>
      %dma_wait3A_105 = arith.constant 0 : i32
      %dma_wait3A_106 = arith.constant 0 : i32
      %dma_wait3A_107 = tpu.memref_slice %arg2[%run_scoped3A, %add3A, %run_scoped3A_11, %dma_wait3A_105, %dma_wait3A_106] : memref<2x32x10x16x64xi32, #tpu.memory_space<hbm>> -> memref<1x1x1x16x64xi32, #tpu.memory_space<hbm>>
      %dma_wait3A_108 = tpu.memref_squeeze %dma_wait3A_107 : memref<1x1x1x16x64xi32, #tpu.memory_space<hbm>> -> memref<16x64xi32, #tpu.memory_space<hbm>>
      tpu.wait_dma2 semaphore(%run_scoped3A_77 : memref<!tpu.dma_semaphore, #tpu.memory_space<semaphore_mem>>) src(%dma_wait3A_108 : memref<16x64xi32, #tpu.memory_space<hbm>>) dst(%dma_wait3A_104 : memref<16x64xi32, #tpu.memory_space<vmem>>)
      tpu.yield
    }) : () -> ()
    %run_scoped3A_13 = arith.constant 1 : i32
    %run_scoped3A_14 = arith.constant 0 : i32
    %run_scoped3A_15 = arith.constant 0 : i32
    "tpu.region"() ({
      %run_scoped3A_77 = tpu.sem_alloc : memref<!tpu.dma_semaphore, #tpu.memory_space<semaphore_mem>>
      %dma_start3A_78 = arith.constant 0 : i32
      %dma_start3A_79 = arith.constant 0 : i32
      %dma_start3A_80 = tpu.memref_slice %arg6[%run_scoped3A_15, %dma_start3A_78, %dma_start3A_79] : memref<2x16x64xi32, #tpu.memory_space<vmem>> -> memref<1x16x64xi32, #tpu.memory_space<vmem>>
      %dma_start3A_81 = tpu.memref_squeeze %dma_start3A_80 : memref<1x16x64xi32, #tpu.memory_space<vmem>> -> memref<16x64xi32, #tpu.memory_space<vmem>>
      %dma_start3A_82 = arith.constant 0 : i32
      %dma_start3A_83 = arith.constant 0 : i32
      %dma_start3A_84 = tpu.memref_slice %arg2[%run_scoped3A_13, %add3A, %run_scoped3A_14, %dma_start3A_82, %dma_start3A_83] : memref<2x32x10x16x64xi32, #tpu.memory_space<hbm>> -> memref<1x1x1x16x64xi32, #tpu.memory_space<hbm>>
      %dma_start3A_85 = tpu.memref_squeeze %dma_start3A_84 : memref<1x1x1x16x64xi32, #tpu.memory_space<hbm>> -> memref<16x64xi32, #tpu.memory_space<hbm>>
      %dma_start3A_86 = arith.constant 0 : i32
      %dma_start3A_87 = arith.constant 0 : i32
      %dma_start3A_88 = tpu.memref_slice %arg6[%run_scoped3A_15, %dma_start3A_86, %dma_start3A_87] : memref<2x16x64xi32, #tpu.memory_space<vmem>> -> memref<1x16x64xi32, #tpu.memory_space<vmem>>
      %dma_start3A_89 = tpu.memref_squeeze %dma_start3A_88 : memref<1x16x64xi32, #tpu.memory_space<vmem>> -> memref<16x64xi32, #tpu.memory_space<vmem>>
      %dma_start3A_90 = arith.constant 0 : i32
      %dma_start3A_91 = arith.constant 0 : i32
      %dma_start3A_92 = tpu.memref_slice %arg2[%run_scoped3A_13, %add3A, %run_scoped3A_14, %dma_start3A_90, %dma_start3A_91] : memref<2x32x10x16x64xi32, #tpu.memory_space<hbm>> -> memref<1x1x1x16x64xi32, #tpu.memory_space<hbm>>
      %dma_start3A_93 = tpu.memref_squeeze %dma_start3A_92 : memref<1x1x1x16x64xi32, #tpu.memory_space<hbm>> -> memref<16x64xi32, #tpu.memory_space<hbm>>
      tpu.enqueue_dma source(%dma_start3A_93 : memref<16x64xi32, #tpu.memory_space<hbm>>) target(%dma_start3A_89 : memref<16x64xi32, #tpu.memory_space<vmem>>) target_semaphore(%run_scoped3A_77 : memref<!tpu.dma_semaphore, #tpu.memory_space<semaphore_mem>>)
      %dma_wait3A = arith.constant 0 : i32
      %dma_wait3A_94 = arith.constant 0 : i32
      %dma_wait3A_95 = tpu.memref_slice %arg6[%run_scoped3A_15, %dma_wait3A, %dma_wait3A_94] : memref<2x16x64xi32, #tpu.memory_space<vmem>> -> memref<1x16x64xi32, #tpu.memory_space<vmem>>
      %dma_wait3A_96 = tpu.memref_squeeze %dma_wait3A_95 : memref<1x16x64xi32, #tpu.memory_space<vmem>> -> memref<16x64xi32, #tpu.memory_space<vmem>>
      %dma_wait3A_97 = arith.constant 0 : i32
      %dma_wait3A_98 = arith.constant 0 : i32
      %dma_wait3A_99 = tpu.memref_slice %arg2[%run_scoped3A_13, %add3A, %run_scoped3A_14, %dma_wait3A_97, %dma_wait3A_98] : memref<2x32x10x16x64xi32, #tpu.memory_space<hbm>> -> memref<1x1x1x16x64xi32, #tpu.memory_space<hbm>>
      %dma_wait3A_100 = tpu.memref_squeeze %dma_wait3A_99 : memref<1x1x1x16x64xi32, #tpu.memory_space<hbm>> -> memref<16x64xi32, #tpu.memory_space<hbm>>
      %dma_wait3A_101 = arith.constant 0 : i32
      %dma_wait3A_102 = arith.constant 0 : i32
      %dma_wait3A_103 = tpu.memref_slice %arg6[%run_scoped3A_15, %dma_wait3A_101, %dma_wait3A_102] : memref<2x16x64xi32, #tpu.memory_space<vmem>> -> memref<1x16x64xi32, #tpu.memory_space<vmem>>
      %dma_wait3A_104 = tpu.memref_squeeze %dma_wait3A_103 : memref<1x16x64xi32, #tpu.memory_space<vmem>> -> memref<16x64xi32, #tpu.memory_space<vmem>>
      %dma_wait3A_105 = arith.constant 0 : i32
      %dma_wait3A_106 = arith.constant 0 : i32
      %dma_wait3A_107 = tpu.memref_slice %arg2[%run_scoped3A_13, %add3A, %run_scoped3A_14, %dma_wait3A_105, %dma_wait3A_106] : memref<2x32x10x16x64xi32, #tpu.memory_space<hbm>> -> memref<1x1x1x16x64xi32, #tpu.memory_space<hbm>>
      %dma_wait3A_108 = tpu.memref_squeeze %dma_wait3A_107 : memref<1x1x1x16x64xi32, #tpu.memory_space<hbm>> -> memref<16x64xi32, #tpu.memory_space<hbm>>
      tpu.wait_dma2 semaphore(%run_scoped3A_77 : memref<!tpu.dma_semaphore, #tpu.memory_space<semaphore_mem>>) src(%dma_wait3A_108 : memref<16x64xi32, #tpu.memory_space<hbm>>) dst(%dma_wait3A_104 : memref<16x64xi32, #tpu.memory_space<vmem>>)
      tpu.yield
    }) : () -> ()
    %dma_start3A = arith.constant 0 : i32
    %dma_start3A_16 = arith.constant 0 : i32
    %dma_start3A_17 = arith.constant 0 : i32
    %dma_start3A_18 = arith.constant 0 : i32
    %dma_start3A_19 = arith.constant 0 : i32
    %dma_start3A_20 = tpu.memref_slice %arg7[%dma_start3A_17, %dma_start3A_18, %dma_start3A_19] : memref<4x64x128xf32, #tpu.memory_space<vmem>> -> memref<1x64x128xf32, #tpu.memory_space<vmem>>
    %dma_start3A_21 = tpu.memref_squeeze %dma_start3A_20 : memref<1x64x128xf32, #tpu.memory_space<vmem>> -> memref<64x128xf32, #tpu.memory_space<vmem>>
    %dma_start3A_22 = arith.constant 0 : i32
    %dma_start3A_23 = tpu.memref_slice %arg5[%dma_start3A, %dma_start3A_16, %dma_start3A_22] : memref<2x16x64xi32, #tpu.memory_space<vmem>> -> memref<1x1x64xi32, #tpu.memory_space<vmem>>
    %dma_start3A_24 = tpu.memref_squeeze %dma_start3A_23 : memref<1x1x64xi32, #tpu.memory_space<vmem>> -> memref<64xi32, #tpu.memory_space<vmem>>
    %dma_start3A_25 = arith.constant 0 : i32
    %dma_start3A_26 = arith.constant 0 : i32
    %dma_start3A_27 = tpu.memref_slice %arg3[%dma_start3A_25, %dma_start3A_26] : memref<10000x128xf32, #tpu.memory_space<hbm>> -> memref<10000x128xf32, #tpu.memory_space<hbm>>
    tpu.enqueue_indirect_dma source(%dma_start3A_27 : memref<10000x128xf32, #tpu.memory_space<hbm>>) target(%dma_start3A_21 : memref<64x128xf32, #tpu.memory_space<vmem>>) offsets(%dma_start3A_24 : memref<64xi32, #tpu.memory_space<vmem>>) semaphore(%arg10 : memref<!tpu.dma_semaphore, #tpu.memory_space<semaphore_mem>>)
    %dma_start3A_28 = arith.constant 0 : i32
    %dma_start3A_29 = arith.constant 1 : i32
    %dma_start3A_30 = arith.constant 1 : i32
    %dma_start3A_31 = arith.constant 0 : i32
    %dma_start3A_32 = arith.constant 0 : i32
    %dma_start3A_33 = tpu.memref_slice %arg7[%dma_start3A_30, %dma_start3A_31, %dma_start3A_32] : memref<4x64x128xf32, #tpu.memory_space<vmem>> -> memref<1x64x128xf32, #tpu.memory_space<vmem>>
    %dma_start3A_34 = tpu.memref_squeeze %dma_start3A_33 : memref<1x64x128xf32, #tpu.memory_space<vmem>> -> memref<64x128xf32, #tpu.memory_space<vmem>>
    %dma_start3A_35 = arith.constant 0 : i32
    %dma_start3A_36 = tpu.memref_slice %arg5[%dma_start3A_28, %dma_start3A_29, %dma_start3A_35] : memref<2x16x64xi32, #tpu.memory_space<vmem>> -> memref<1x1x64xi32, #tpu.memory_space<vmem>>
    %dma_start3A_37 = tpu.memref_squeeze %dma_start3A_36 : memref<1x1x64xi32, #tpu.memory_space<vmem>> -> memref<64xi32, #tpu.memory_space<vmem>>
    %dma_start3A_38 = arith.constant 0 : i32
    %dma_start3A_39 = arith.constant 0 : i32
    %dma_start3A_40 = tpu.memref_slice %arg3[%dma_start3A_38, %dma_start3A_39] : memref<10000x128xf32, #tpu.memory_space<hbm>> -> memref<10000x128xf32, #tpu.memory_space<hbm>>
    tpu.enqueue_indirect_dma source(%dma_start3A_40 : memref<10000x128xf32, #tpu.memory_space<hbm>>) target(%dma_start3A_34 : memref<64x128xf32, #tpu.memory_space<vmem>>) offsets(%dma_start3A_37 : memref<64xi32, #tpu.memory_space<vmem>>) semaphore(%arg11 : memref<!tpu.dma_semaphore, #tpu.memory_space<semaphore_mem>>)
    %dma_start3A_41 = arith.constant 0 : i32
    %dma_start3A_42 = arith.constant 2 : i32
    %dma_start3A_43 = arith.constant 2 : i32
    %dma_start3A_44 = arith.constant 0 : i32
    %dma_start3A_45 = arith.constant 0 : i32
    %dma_start3A_46 = tpu.memref_slice %arg7[%dma_start3A_43, %dma_start3A_44, %dma_start3A_45] : memref<4x64x128xf32, #tpu.memory_space<vmem>> -> memref<1x64x128xf32, #tpu.memory_space<vmem>>
    %dma_start3A_47 = tpu.memref_squeeze %dma_start3A_46 : memref<1x64x128xf32, #tpu.memory_space<vmem>> -> memref<64x128xf32, #tpu.memory_space<vmem>>
    %dma_start3A_48 = arith.constant 0 : i32
    %dma_start3A_49 = tpu.memref_slice %arg5[%dma_start3A_41, %dma_start3A_42, %dma_start3A_48] : memref<2x16x64xi32, #tpu.memory_space<vmem>> -> memref<1x1x64xi32, #tpu.memory_space<vmem>>
    %dma_start3A_50 = tpu.memref_squeeze %dma_start3A_49 : memref<1x1x64xi32, #tpu.memory_space<vmem>> -> memref<64xi32, #tpu.memory_space<vmem>>
    %dma_start3A_51 = arith.constant 0 : i32
    %dma_start3A_52 = arith.constant 0 : i32
    %dma_start3A_53 = tpu.memref_slice %arg3[%dma_start3A_51, %dma_start3A_52] : memref<10000x128xf32, #tpu.memory_space<hbm>> -> memref<10000x128xf32, #tpu.memory_space<hbm>>
    tpu.enqueue_indirect_dma source(%dma_start3A_53 : memref<10000x128xf32, #tpu.memory_space<hbm>>) target(%dma_start3A_47 : memref<64x128xf32, #tpu.memory_space<vmem>>) offsets(%dma_start3A_50 : memref<64xi32, #tpu.memory_space<vmem>>) semaphore(%arg12 : memref<!tpu.dma_semaphore, #tpu.memory_space<semaphore_mem>>)
    %dma_start3A_54 = arith.constant 0 : i32
    %dma_start3A_55 = arith.constant 3 : i32
    %dma_start3A_56 = arith.constant 3 : i32
    %dma_start3A_57 = arith.constant 0 : i32
    %dma_start3A_58 = arith.constant 0 : i32
    %dma_start3A_59 = tpu.memref_slice %arg7[%dma_start3A_56, %dma_start3A_57, %dma_start3A_58] : memref<4x64x128xf32, #tpu.memory_space<vmem>> -> memref<1x64x128xf32, #tpu.memory_space<vmem>>
    %dma_start3A_60 = tpu.memref_squeeze %dma_start3A_59 : memref<1x64x128xf32, #tpu.memory_space<vmem>> -> memref<64x128xf32, #tpu.memory_space<vmem>>
    %dma_start3A_61 = arith.constant 0 : i32
    %dma_start3A_62 = tpu.memref_slice %arg5[%dma_start3A_54, %dma_start3A_55, %dma_start3A_61] : memref<2x16x64xi32, #tpu.memory_space<vmem>> -> memref<1x1x64xi32, #tpu.memory_space<vmem>>
    %dma_start3A_63 = tpu.memref_squeeze %dma_start3A_62 : memref<1x1x64xi32, #tpu.memory_space<vmem>> -> memref<64xi32, #tpu.memory_space<vmem>>
    %dma_start3A_64 = arith.constant 0 : i32
    %dma_start3A_65 = arith.constant 0 : i32
    %dma_start3A_66 = tpu.memref_slice %arg3[%dma_start3A_64, %dma_start3A_65] : memref<10000x128xf32, #tpu.memory_space<hbm>> -> memref<10000x128xf32, #tpu.memory_space<hbm>>
    tpu.enqueue_indirect_dma source(%dma_start3A_66 : memref<10000x128xf32, #tpu.memory_space<hbm>>) target(%dma_start3A_60 : memref<64x128xf32, #tpu.memory_space<vmem>>) offsets(%dma_start3A_63 : memref<64xi32, #tpu.memory_space<vmem>>) semaphore(%arg13 : memref<!tpu.dma_semaphore, #tpu.memory_space<semaphore_mem>>)
    %scan3A_67 = arith.constant 0 : i32
    %scan3A_68 = arith.constant 40 : i32
    %scan3A_69 = arith.addi %scan3A_67, %scan3A_68 : i32
    %scan3A_70 = arith.constant 1 : i32
    scf.for %scan3A_77 = %scan3A_67 to %scan3A_69 step %scan3A_70  : i32 {
      %mul3A_78 = arith.constant 1 : i32
      %mul3A_79 = arith.muli %scan3A_77, %mul3A_78 : i32
      %add3A_80 = arith.constant 0 : i32
      %add3A_81 = arith.addi %add3A_80, %mul3A_79 : i32
      %add3A_82 = arith.constant 3 : i32
      %add3A_83 = arith.addi %add3A_81, %add3A_82 : i32
      %jit3A = arith.constant 4 : i32
      %div3A = arith.divsi %add3A_83, %jit3A : i32
      %sign3A = arith.constant 0 : i32
      %sign3A_84 = arith.cmpi sgt, %add3A_83, %sign3A : i32
      %sign3A_85 = arith.extui %sign3A_84 : i1 to i32
      %sign3A_86 = arith.constant 0 : i32
      %sign3A_87 = arith.cmpi slt, %add3A_83, %sign3A_86 : i32
      %sign3A_88 = arith.extui %sign3A_87 : i1 to i32
      %sign3A_89 = arith.subi %sign3A_85, %sign3A_88 : i32
      %sign3A_90 = arith.constant 0 : i32
      %sign3A_91 = arith.cmpi sgt, %jit3A, %sign3A_90 : i32
      %sign3A_92 = arith.extui %sign3A_91 : i1 to i32
      %sign3A_93 = arith.constant 0 : i32
      %sign3A_94 = arith.cmpi slt, %jit3A, %sign3A_93 : i32
      %sign3A_95 = arith.extui %sign3A_94 : i1 to i32
      %sign3A_96 = arith.subi %sign3A_92, %sign3A_95 : i32
      %ne3A = arith.cmpi ne, %sign3A_89, %sign3A_96 : i32
      %rem3A = arith.remsi %add3A_83, %jit3A : i32
      %ne3A_97 = arith.constant 0 : i32
      %ne3A_98 = arith.cmpi ne, %rem3A, %ne3A_97 : i32
      %and3A = arith.andi %ne3A, %ne3A_98 : i1
      %sub3A = arith.constant 1 : i32
      %sub3A_99 = arith.subi %div3A, %sub3A : i32
      %select_n3A = arith.select %and3A, %sub3A_99, %div3A : i32
      %jit3A_100 = arith.constant 4 : i32
      %eq3A = arith.constant 0 : i32
      %eq3A_101 = arith.cmpi eq, %jit3A_100, %eq3A : i32
      %jit3A_102 = arith.constant 1 : i32
      %select_n3A_103 = arith.select %eq3A_101, %jit3A_102, %jit3A_100 : i32
      %rem3A_104 = arith.remsi %add3A_81, %select_n3A_103 : i32
      %ne3A_105 = arith.constant 0 : i32
      %ne3A_106 = arith.cmpi ne, %rem3A_104, %ne3A_105 : i32
      %lt3A = arith.constant 0 : i32
      %lt3A_107 = arith.cmpi slt, %rem3A_104, %lt3A : i32
      %lt3A_108 = arith.constant 0 : i32
      %lt3A_109 = arith.cmpi slt, %select_n3A_103, %lt3A_108 : i32
      %ne3A_110 = arith.xori %lt3A_107, %lt3A_109 : i1
      %and3A_111 = arith.andi %ne3A_110, %ne3A_106 : i1
      %add3A_112 = arith.addi %rem3A_104, %select_n3A_103 : i32
      %select_n3A_113 = arith.select %and3A_111, %add3A_112, %rem3A_104 : i32
      %eq3A_114 = arith.constant 1 : i32
      %eq3A_115 = arith.cmpi eq, %select_n3A_113, %eq3A_114 : i32
      %lt3A_116 = arith.constant 10 : i32
      %lt3A_117 = arith.cmpi slt, %select_n3A, %lt3A_116 : i32
      %and3A_118 = arith.andi %eq3A_115, %lt3A_117 : i1
      %convert_element_type3A = arith.extui %and3A_118 : i1 to i32
      %cond3A = arith.constant 0 : i32
      %cond3A_119 = arith.cmpi ne, %convert_element_type3A, %cond3A : i32
      scf.if %cond3A_119 {
        %jit3A_659 = arith.constant 2 : i32
        %eq3A_660 = arith.constant 0 : i32
        %eq3A_661 = arith.cmpi eq, %jit3A_659, %eq3A_660 : i32
        %jit3A_662 = arith.constant 1 : i32
        %select_n3A_663 = arith.select %eq3A_661, %jit3A_662, %jit3A_659 : i32
        %rem3A_664 = arith.remsi %select_n3A, %select_n3A_663 : i32
        %ne3A_665 = arith.constant 0 : i32
        %ne3A_666 = arith.cmpi ne, %rem3A_664, %ne3A_665 : i32
        %lt3A_667 = arith.constant 0 : i32
        %lt3A_668 = arith.cmpi slt, %rem3A_664, %lt3A_667 : i32
        %lt3A_669 = arith.constant 0 : i32
        %lt3A_670 = arith.cmpi slt, %select_n3A_663, %lt3A_669 : i32
        %ne3A_671 = arith.xori %lt3A_668, %lt3A_670 : i1
        %and3A_672 = arith.andi %ne3A_671, %ne3A_666 : i1
        %add3A_673 = arith.addi %rem3A_664, %select_n3A_663 : i32
        %select_n3A_674 = arith.select %and3A_672, %add3A_673, %rem3A_664 : i32
        %run_scoped3A_675 = arith.constant 0 : i32
        "tpu.region"() ({
          %run_scoped3A_693 = tpu.sem_alloc : memref<!tpu.dma_semaphore, #tpu.memory_space<semaphore_mem>>
          %dma_start3A_694 = arith.constant 0 : i32
          %dma_start3A_695 = arith.constant 0 : i32
          %dma_start3A_696 = tpu.memref_slice %arg5[%select_n3A_674, %dma_start3A_694, %dma_start3A_695] : memref<2x16x64xi32, #tpu.memory_space<vmem>> -> memref<1x16x64xi32, #tpu.memory_space<vmem>>
          %dma_start3A_697 = tpu.memref_squeeze %dma_start3A_696 : memref<1x16x64xi32, #tpu.memory_space<vmem>> -> memref<16x64xi32, #tpu.memory_space<vmem>>
          %dma_start3A_698 = arith.constant 0 : i32
          %dma_start3A_699 = arith.constant 0 : i32
          %dma_start3A_700 = tpu.memref_slice %arg2[%run_scoped3A_675, %add3A, %select_n3A, %dma_start3A_698, %dma_start3A_699] : memref<2x32x10x16x64xi32, #tpu.memory_space<hbm>> -> memref<1x1x1x16x64xi32, #tpu.memory_space<hbm>>
          %dma_start3A_701 = tpu.memref_squeeze %dma_start3A_700 : memref<1x1x1x16x64xi32, #tpu.memory_space<hbm>> -> memref<16x64xi32, #tpu.memory_space<hbm>>
          %dma_start3A_702 = arith.constant 0 : i32
          %dma_start3A_703 = arith.constant 0 : i32
          %dma_start3A_704 = tpu.memref_slice %arg5[%select_n3A_674, %dma_start3A_702, %dma_start3A_703] : memref<2x16x64xi32, #tpu.memory_space<vmem>> -> memref<1x16x64xi32, #tpu.memory_space<vmem>>
          %dma_start3A_705 = tpu.memref_squeeze %dma_start3A_704 : memref<1x16x64xi32, #tpu.memory_space<vmem>> -> memref<16x64xi32, #tpu.memory_space<vmem>>
          %dma_start3A_706 = arith.constant 0 : i32
          %dma_start3A_707 = arith.constant 0 : i32
          %dma_start3A_708 = tpu.memref_slice %arg2[%run_scoped3A_675, %add3A, %select_n3A, %dma_start3A_706, %dma_start3A_707] : memref<2x32x10x16x64xi32, #tpu.memory_space<hbm>> -> memref<1x1x1x16x64xi32, #tpu.memory_space<hbm>>
          %dma_start3A_709 = tpu.memref_squeeze %dma_start3A_708 : memref<1x1x1x16x64xi32, #tpu.memory_space<hbm>> -> memref<16x64xi32, #tpu.memory_space<hbm>>
          tpu.enqueue_dma source(%dma_start3A_709 : memref<16x64xi32, #tpu.memory_space<hbm>>) target(%dma_start3A_705 : memref<16x64xi32, #tpu.memory_space<vmem>>) target_semaphore(%run_scoped3A_693 : memref<!tpu.dma_semaphore, #tpu.memory_space<semaphore_mem>>)
          %dma_wait3A_710 = arith.constant 0 : i32
          %dma_wait3A_711 = arith.constant 0 : i32
          %dma_wait3A_712 = tpu.memref_slice %arg5[%select_n3A_674, %dma_wait3A_710, %dma_wait3A_711] : memref<2x16x64xi32, #tpu.memory_space<vmem>> -> memref<1x16x64xi32, #tpu.memory_space<vmem>>
          %dma_wait3A_713 = tpu.memref_squeeze %dma_wait3A_712 : memref<1x16x64xi32, #tpu.memory_space<vmem>> -> memref<16x64xi32, #tpu.memory_space<vmem>>
          %dma_wait3A_714 = arith.constant 0 : i32
          %dma_wait3A_715 = arith.constant 0 : i32
          %dma_wait3A_716 = tpu.memref_slice %arg2[%run_scoped3A_675, %add3A, %select_n3A, %dma_wait3A_714, %dma_wait3A_715] : memref<2x32x10x16x64xi32, #tpu.memory_space<hbm>> -> memref<1x1x1x16x64xi32, #tpu.memory_space<hbm>>
          %dma_wait3A_717 = tpu.memref_squeeze %dma_wait3A_716 : memref<1x1x1x16x64xi32, #tpu.memory_space<hbm>> -> memref<16x64xi32, #tpu.memory_space<hbm>>
          %dma_wait3A_718 = arith.constant 0 : i32
          %dma_wait3A_719 = arith.constant 0 : i32
          %dma_wait3A_720 = tpu.memref_slice %arg5[%select_n3A_674, %dma_wait3A_718, %dma_wait3A_719] : memref<2x16x64xi32, #tpu.memory_space<vmem>> -> memref<1x16x64xi32, #tpu.memory_space<vmem>>
          %dma_wait3A_721 = tpu.memref_squeeze %dma_wait3A_720 : memref<1x16x64xi32, #tpu.memory_space<vmem>> -> memref<16x64xi32, #tpu.memory_space<vmem>>
          %dma_wait3A_722 = arith.constant 0 : i32
          %dma_wait3A_723 = arith.constant 0 : i32
          %dma_wait3A_724 = tpu.memref_slice %arg2[%run_scoped3A_675, %add3A, %select_n3A, %dma_wait3A_722, %dma_wait3A_723] : memref<2x32x10x16x64xi32, #tpu.memory_space<hbm>> -> memref<1x1x1x16x64xi32, #tpu.memory_space<hbm>>
          %dma_wait3A_725 = tpu.memref_squeeze %dma_wait3A_724 : memref<1x1x1x16x64xi32, #tpu.memory_space<hbm>> -> memref<16x64xi32, #tpu.memory_space<hbm>>
          tpu.wait_dma2 semaphore(%run_scoped3A_693 : memref<!tpu.dma_semaphore, #tpu.memory_space<semaphore_mem>>) src(%dma_wait3A_725 : memref<16x64xi32, #tpu.memory_space<hbm>>) dst(%dma_wait3A_721 : memref<16x64xi32, #tpu.memory_space<vmem>>)
          tpu.yield
        }) : () -> ()
        %jit3A_676 = arith.constant 2 : i32
        %eq3A_677 = arith.constant 0 : i32
        %eq3A_678 = arith.cmpi eq, %jit3A_676, %eq3A_677 : i32
        %jit3A_679 = arith.constant 1 : i32
        %select_n3A_680 = arith.select %eq3A_678, %jit3A_679, %jit3A_676 : i32
        %rem3A_681 = arith.remsi %select_n3A, %select_n3A_680 : i32
        %ne3A_682 = arith.constant 0 : i32
        %ne3A_683 = arith.cmpi ne, %rem3A_681, %ne3A_682 : i32
        %lt3A_684 = arith.constant 0 : i32
        %lt3A_685 = arith.cmpi slt, %rem3A_681, %lt3A_684 : i32
        %lt3A_686 = arith.constant 0 : i32
        %lt3A_687 = arith.cmpi slt, %select_n3A_680, %lt3A_686 : i32
        %ne3A_688 = arith.xori %lt3A_685, %lt3A_687 : i1
        %and3A_689 = arith.andi %ne3A_688, %ne3A_683 : i1
        %add3A_690 = arith.addi %rem3A_681, %select_n3A_680 : i32
        %select_n3A_691 = arith.select %and3A_689, %add3A_690, %rem3A_681 : i32
        %run_scoped3A_692 = arith.constant 1 : i32
        "tpu.region"() ({
          %run_scoped3A_693 = tpu.sem_alloc : memref<!tpu.dma_semaphore, #tpu.memory_space<semaphore_mem>>
          %dma_start3A_694 = arith.constant 0 : i32
          %dma_start3A_695 = arith.constant 0 : i32
          %dma_start3A_696 = tpu.memref_slice %arg6[%select_n3A_691, %dma_start3A_694, %dma_start3A_695] : memref<2x16x64xi32, #tpu.memory_space<vmem>> -> memref<1x16x64xi32, #tpu.memory_space<vmem>>
          %dma_start3A_697 = tpu.memref_squeeze %dma_start3A_696 : memref<1x16x64xi32, #tpu.memory_space<vmem>> -> memref<16x64xi32, #tpu.memory_space<vmem>>
          %dma_start3A_698 = arith.constant 0 : i32
          %dma_start3A_699 = arith.constant 0 : i32
          %dma_start3A_700 = tpu.memref_slice %arg2[%run_scoped3A_692, %add3A, %select_n3A, %dma_start3A_698, %dma_start3A_699] : memref<2x32x10x16x64xi32, #tpu.memory_space<hbm>> -> memref<1x1x1x16x64xi32, #tpu.memory_space<hbm>>
          %dma_start3A_701 = tpu.memref_squeeze %dma_start3A_700 : memref<1x1x1x16x64xi32, #tpu.memory_space<hbm>> -> memref<16x64xi32, #tpu.memory_space<hbm>>
          %dma_start3A_702 = arith.constant 0 : i32
          %dma_start3A_703 = arith.constant 0 : i32
          %dma_start3A_704 = tpu.memref_slice %arg6[%select_n3A_691, %dma_start3A_702, %dma_start3A_703] : memref<2x16x64xi32, #tpu.memory_space<vmem>> -> memref<1x16x64xi32, #tpu.memory_space<vmem>>
          %dma_start3A_705 = tpu.memref_squeeze %dma_start3A_704 : memref<1x16x64xi32, #tpu.memory_space<vmem>> -> memref<16x64xi32, #tpu.memory_space<vmem>>
          %dma_start3A_706 = arith.constant 0 : i32
          %dma_start3A_707 = arith.constant 0 : i32
          %dma_start3A_708 = tpu.memref_slice %arg2[%run_scoped3A_692, %add3A, %select_n3A, %dma_start3A_706, %dma_start3A_707] : memref<2x32x10x16x64xi32, #tpu.memory_space<hbm>> -> memref<1x1x1x16x64xi32, #tpu.memory_space<hbm>>
          %dma_start3A_709 = tpu.memref_squeeze %dma_start3A_708 : memref<1x1x1x16x64xi32, #tpu.memory_space<hbm>> -> memref<16x64xi32, #tpu.memory_space<hbm>>
          tpu.enqueue_dma source(%dma_start3A_709 : memref<16x64xi32, #tpu.memory_space<hbm>>) target(%dma_start3A_705 : memref<16x64xi32, #tpu.memory_space<vmem>>) target_semaphore(%run_scoped3A_693 : memref<!tpu.dma_semaphore, #tpu.memory_space<semaphore_mem>>)
          %dma_wait3A_710 = arith.constant 0 : i32
          %dma_wait3A_711 = arith.constant 0 : i32
          %dma_wait3A_712 = tpu.memref_slice %arg6[%select_n3A_691, %dma_wait3A_710, %dma_wait3A_711] : memref<2x16x64xi32, #tpu.memory_space<vmem>> -> memref<1x16x64xi32, #tpu.memory_space<vmem>>
          %dma_wait3A_713 = tpu.memref_squeeze %dma_wait3A_712 : memref<1x16x64xi32, #tpu.memory_space<vmem>> -> memref<16x64xi32, #tpu.memory_space<vmem>>
          %dma_wait3A_714 = arith.constant 0 : i32
          %dma_wait3A_715 = arith.constant 0 : i32
          %dma_wait3A_716 = tpu.memref_slice %arg2[%run_scoped3A_692, %add3A, %select_n3A, %dma_wait3A_714, %dma_wait3A_715] : memref<2x32x10x16x64xi32, #tpu.memory_space<hbm>> -> memref<1x1x1x16x64xi32, #tpu.memory_space<hbm>>
          %dma_wait3A_717 = tpu.memref_squeeze %dma_wait3A_716 : memref<1x1x1x16x64xi32, #tpu.memory_space<hbm>> -> memref<16x64xi32, #tpu.memory_space<hbm>>
          %dma_wait3A_718 = arith.constant 0 : i32
          %dma_wait3A_719 = arith.constant 0 : i32
          %dma_wait3A_720 = tpu.memref_slice %arg6[%select_n3A_691, %dma_wait3A_718, %dma_wait3A_719] : memref<2x16x64xi32, #tpu.memory_space<vmem>> -> memref<1x16x64xi32, #tpu.memory_space<vmem>>
          %dma_wait3A_721 = tpu.memref_squeeze %dma_wait3A_720 : memref<1x16x64xi32, #tpu.memory_space<vmem>> -> memref<16x64xi32, #tpu.memory_space<vmem>>
          %dma_wait3A_722 = arith.constant 0 : i32
          %dma_wait3A_723 = arith.constant 0 : i32
          %dma_wait3A_724 = tpu.memref_slice %arg2[%run_scoped3A_692, %add3A, %select_n3A, %dma_wait3A_722, %dma_wait3A_723] : memref<2x32x10x16x64xi32, #tpu.memory_space<hbm>> -> memref<1x1x1x16x64xi32, #tpu.memory_space<hbm>>
          %dma_wait3A_725 = tpu.memref_squeeze %dma_wait3A_724 : memref<1x1x1x16x64xi32, #tpu.memory_space<hbm>> -> memref<16x64xi32, #tpu.memory_space<hbm>>
          tpu.wait_dma2 semaphore(%run_scoped3A_693 : memref<!tpu.dma_semaphore, #tpu.memory_space<semaphore_mem>>) src(%dma_wait3A_725 : memref<16x64xi32, #tpu.memory_space<hbm>>) dst(%dma_wait3A_721 : memref<16x64xi32, #tpu.memory_space<vmem>>)
          tpu.yield
        }) : () -> ()
      } else {
      }
      %mul3A_120 = arith.constant 4 : i32
      %mul3A_121 = arith.muli %add3A_81, %mul3A_120 : i32
      %add3A_122 = arith.constant 0 : i32
      %add3A_123 = arith.addi %mul3A_121, %add3A_122 : i32
      %jit3A_124 = arith.constant 16 : i32
      %div3A_125 = arith.divsi %add3A_123, %jit3A_124 : i32
      %sign3A_126 = arith.constant 0 : i32
      %sign3A_127 = arith.cmpi sgt, %add3A_123, %sign3A_126 : i32
      %sign3A_128 = arith.extui %sign3A_127 : i1 to i32
      %sign3A_129 = arith.constant 0 : i32
      %sign3A_130 = arith.cmpi slt, %add3A_123, %sign3A_129 : i32
      %sign3A_131 = arith.extui %sign3A_130 : i1 to i32
      %sign3A_132 = arith.subi %sign3A_128, %sign3A_131 : i32
      %sign3A_133 = arith.constant 0 : i32
      %sign3A_134 = arith.cmpi sgt, %jit3A_124, %sign3A_133 : i32
      %sign3A_135 = arith.extui %sign3A_134 : i1 to i32
      %sign3A_136 = arith.constant 0 : i32
      %sign3A_137 = arith.cmpi slt, %jit3A_124, %sign3A_136 : i32
      %sign3A_138 = arith.extui %sign3A_137 : i1 to i32
      %sign3A_139 = arith.subi %sign3A_135, %sign3A_138 : i32
      %ne3A_140 = arith.cmpi ne, %sign3A_132, %sign3A_139 : i32
      %rem3A_141 = arith.remsi %add3A_123, %jit3A_124 : i32
      %ne3A_142 = arith.constant 0 : i32
      %ne3A_143 = arith.cmpi ne, %rem3A_141, %ne3A_142 : i32
      %and3A_144 = arith.andi %ne3A_140, %ne3A_143 : i1
      %sub3A_145 = arith.constant 1 : i32
      %sub3A_146 = arith.subi %div3A_125, %sub3A_145 : i32
      %select_n3A_147 = arith.select %and3A_144, %sub3A_146, %div3A_125 : i32
      %jit3A_148 = arith.constant 2 : i32
      %eq3A_149 = arith.constant 0 : i32
      %eq3A_150 = arith.cmpi eq, %jit3A_148, %eq3A_149 : i32
      %jit3A_151 = arith.constant 1 : i32
      %select_n3A_152 = arith.select %eq3A_150, %jit3A_151, %jit3A_148 : i32
      %rem3A_153 = arith.remsi %select_n3A_147, %select_n3A_152 : i32
      %ne3A_154 = arith.constant 0 : i32
      %ne3A_155 = arith.cmpi ne, %rem3A_153, %ne3A_154 : i32
      %lt3A_156 = arith.constant 0 : i32
      %lt3A_157 = arith.cmpi slt, %rem3A_153, %lt3A_156 : i32
      %lt3A_158 = arith.constant 0 : i32
      %lt3A_159 = arith.cmpi slt, %select_n3A_152, %lt3A_158 : i32
      %ne3A_160 = arith.xori %lt3A_157, %lt3A_159 : i1
      %and3A_161 = arith.andi %ne3A_160, %ne3A_155 : i1
      %add3A_162 = arith.addi %rem3A_153, %select_n3A_152 : i32
      %select_n3A_163 = arith.select %and3A_161, %add3A_162, %rem3A_153 : i32
      %jit3A_164 = arith.constant 16 : i32
      %eq3A_165 = arith.constant 0 : i32
      %eq3A_166 = arith.cmpi eq, %jit3A_164, %eq3A_165 : i32
      %jit3A_167 = arith.constant 1 : i32
      %select_n3A_168 = arith.select %eq3A_166, %jit3A_167, %jit3A_164 : i32
      %rem3A_169 = arith.remsi %add3A_123, %select_n3A_168 : i32
      %ne3A_170 = arith.constant 0 : i32
      %ne3A_171 = arith.cmpi ne, %rem3A_169, %ne3A_170 : i32
      %lt3A_172 = arith.constant 0 : i32
      %lt3A_173 = arith.cmpi slt, %rem3A_169, %lt3A_172 : i32
      %lt3A_174 = arith.constant 0 : i32
      %lt3A_175 = arith.cmpi slt, %select_n3A_168, %lt3A_174 : i32
      %ne3A_176 = arith.xori %lt3A_173, %lt3A_175 : i1
      %and3A_177 = arith.andi %ne3A_176, %ne3A_171 : i1
      %add3A_178 = arith.addi %rem3A_169, %select_n3A_168 : i32
      %select_n3A_179 = arith.select %and3A_177, %add3A_178, %rem3A_169 : i32
      %dma_wait3A = arith.constant 0 : i32
      %dma_wait3A_180 = arith.constant 0 : i32
      %dma_wait3A_181 = arith.constant 0 : i32
      %dma_wait3A_182 = tpu.memref_slice %arg7[%dma_wait3A, %dma_wait3A_180, %dma_wait3A_181] : memref<4x64x128xf32, #tpu.memory_space<vmem>> -> memref<1x64x128xf32, #tpu.memory_space<vmem>>
      %dma_wait3A_183 = tpu.memref_squeeze %dma_wait3A_182 : memref<1x64x128xf32, #tpu.memory_space<vmem>> -> memref<64x128xf32, #tpu.memory_space<vmem>>
      %dma_wait3A_184 = arith.constant 0 : i32
      %dma_wait3A_185 = tpu.memref_slice %arg5[%select_n3A_163, %select_n3A_179, %dma_wait3A_184] : memref<2x16x64xi32, #tpu.memory_space<vmem>> -> memref<1x1x64xi32, #tpu.memory_space<vmem>>
      %dma_wait3A_186 = tpu.memref_squeeze %dma_wait3A_185 : memref<1x1x64xi32, #tpu.memory_space<vmem>> -> memref<64xi32, #tpu.memory_space<vmem>>
      %dma_wait3A_187 = arith.constant 0 : i32
      %dma_wait3A_188 = arith.constant 0 : i32
      %dma_wait3A_189 = tpu.memref_slice %arg3[%dma_wait3A_187, %dma_wait3A_188] : memref<10000x128xf32, #tpu.memory_space<hbm>> -> memref<10000x128xf32, #tpu.memory_space<hbm>>
      tpu.wait_indirect_dma semaphore(%arg10 : memref<!tpu.dma_semaphore, #tpu.memory_space<semaphore_mem>>) src(%dma_wait3A_189 : memref<10000x128xf32, #tpu.memory_space<hbm>>) dst(%dma_wait3A_183 : memref<64x128xf32, #tpu.memory_space<vmem>>)
      %jit3A_190 = arith.constant 16 : i32
      %div3A_191 = arith.divsi %add3A_123, %jit3A_190 : i32
      %sign3A_192 = arith.constant 0 : i32
      %sign3A_193 = arith.cmpi sgt, %add3A_123, %sign3A_192 : i32
      %sign3A_194 = arith.extui %sign3A_193 : i1 to i32
      %sign3A_195 = arith.constant 0 : i32
      %sign3A_196 = arith.cmpi slt, %add3A_123, %sign3A_195 : i32
      %sign3A_197 = arith.extui %sign3A_196 : i1 to i32
      %sign3A_198 = arith.subi %sign3A_194, %sign3A_197 : i32
      %sign3A_199 = arith.constant 0 : i32
      %sign3A_200 = arith.cmpi sgt, %jit3A_190, %sign3A_199 : i32
      %sign3A_201 = arith.extui %sign3A_200 : i1 to i32
      %sign3A_202 = arith.constant 0 : i32
      %sign3A_203 = arith.cmpi slt, %jit3A_190, %sign3A_202 : i32
      %sign3A_204 = arith.extui %sign3A_203 : i1 to i32
      %sign3A_205 = arith.subi %sign3A_201, %sign3A_204 : i32
      %ne3A_206 = arith.cmpi ne, %sign3A_198, %sign3A_205 : i32
      %rem3A_207 = arith.remsi %add3A_123, %jit3A_190 : i32
      %ne3A_208 = arith.constant 0 : i32
      %ne3A_209 = arith.cmpi ne, %rem3A_207, %ne3A_208 : i32
      %and3A_210 = arith.andi %ne3A_206, %ne3A_209 : i1
      %sub3A_211 = arith.constant 1 : i32
      %sub3A_212 = arith.subi %div3A_191, %sub3A_211 : i32
      %select_n3A_213 = arith.select %and3A_210, %sub3A_212, %div3A_191 : i32
      %jit3A_214 = arith.constant 2 : i32
      %eq3A_215 = arith.constant 0 : i32
      %eq3A_216 = arith.cmpi eq, %jit3A_214, %eq3A_215 : i32
      %jit3A_217 = arith.constant 1 : i32
      %select_n3A_218 = arith.select %eq3A_216, %jit3A_217, %jit3A_214 : i32
      %rem3A_219 = arith.remsi %select_n3A_213, %select_n3A_218 : i32
      %ne3A_220 = arith.constant 0 : i32
      %ne3A_221 = arith.cmpi ne, %rem3A_219, %ne3A_220 : i32
      %lt3A_222 = arith.constant 0 : i32
      %lt3A_223 = arith.cmpi slt, %rem3A_219, %lt3A_222 : i32
      %lt3A_224 = arith.constant 0 : i32
      %lt3A_225 = arith.cmpi slt, %select_n3A_218, %lt3A_224 : i32
      %ne3A_226 = arith.xori %lt3A_223, %lt3A_225 : i1
      %and3A_227 = arith.andi %ne3A_226, %ne3A_221 : i1
      %add3A_228 = arith.addi %rem3A_219, %select_n3A_218 : i32
      %select_n3A_229 = arith.select %and3A_227, %add3A_228, %rem3A_219 : i32
      %jit3A_230 = arith.constant 16 : i32
      %eq3A_231 = arith.constant 0 : i32
      %eq3A_232 = arith.cmpi eq, %jit3A_230, %eq3A_231 : i32
      %jit3A_233 = arith.constant 1 : i32
      %select_n3A_234 = arith.select %eq3A_232, %jit3A_233, %jit3A_230 : i32
      %rem3A_235 = arith.remsi %add3A_123, %select_n3A_234 : i32
      %ne3A_236 = arith.constant 0 : i32
      %ne3A_237 = arith.cmpi ne, %rem3A_235, %ne3A_236 : i32
      %lt3A_238 = arith.constant 0 : i32
      %lt3A_239 = arith.cmpi slt, %rem3A_235, %lt3A_238 : i32
      %lt3A_240 = arith.constant 0 : i32
      %lt3A_241 = arith.cmpi slt, %select_n3A_234, %lt3A_240 : i32
      %ne3A_242 = arith.xori %lt3A_239, %lt3A_241 : i1
      %and3A_243 = arith.andi %ne3A_242, %ne3A_237 : i1
      %add3A_244 = arith.addi %rem3A_235, %select_n3A_234 : i32
      %select_n3A_245 = arith.select %and3A_243, %add3A_244, %rem3A_235 : i32
      %run_scoped3A_246 = arith.constant 0 : i32
      "tpu.region"() ({
        %run_scoped3A_659 = tpu.sem_alloc : memref<!tpu.dma_semaphore, #tpu.memory_space<semaphore_mem>>
        %dma_start3A_660 = arith.constant 0 : i32
        %dma_start3A_661 = arith.constant 0 : i32
        %dma_start3A_662 = tpu.memref_slice %arg7[%run_scoped3A_246, %dma_start3A_660, %dma_start3A_661] : memref<4x64x128xf32, #tpu.memory_space<vmem>> -> memref<1x64x128xf32, #tpu.memory_space<vmem>>
        %dma_start3A_663 = tpu.memref_squeeze %dma_start3A_662 : memref<1x64x128xf32, #tpu.memory_space<vmem>> -> memref<64x128xf32, #tpu.memory_space<vmem>>
        %dma_start3A_664 = arith.constant 0 : i32
        %dma_start3A_665 = tpu.memref_slice %arg6[%select_n3A_229, %select_n3A_245, %dma_start3A_664] : memref<2x16x64xi32, #tpu.memory_space<vmem>> -> memref<1x1x64xi32, #tpu.memory_space<vmem>>
        %dma_start3A_666 = tpu.memref_squeeze %dma_start3A_665 : memref<1x1x64xi32, #tpu.memory_space<vmem>> -> memref<64xi32, #tpu.memory_space<vmem>>
        %dma_start3A_667 = arith.constant 0 : i32
        %dma_start3A_668 = arith.constant 0 : i32
        %dma_start3A_669 = tpu.memref_slice %arg9[%dma_start3A_667, %dma_start3A_668] : memref<10240x128xf32, #tpu.memory_space<vmem_shared>> -> memref<10240x128xf32, #tpu.memory_space<vmem_shared>>
        tpu.enqueue_indirect_dma source(%dma_start3A_663 : memref<64x128xf32, #tpu.memory_space<vmem>>) target(%dma_start3A_669 : memref<10240x128xf32, #tpu.memory_space<vmem_shared>>) offsets(%dma_start3A_666 : memref<64xi32, #tpu.memory_space<vmem>>) semaphore(%run_scoped3A_659 : memref<!tpu.dma_semaphore, #tpu.memory_space<semaphore_mem>>) {add = true}
        %dma_wait3A_670 = arith.constant 0 : i32
        %dma_wait3A_671 = arith.constant 0 : i32
        %dma_wait3A_672 = tpu.memref_slice %arg7[%run_scoped3A_246, %dma_wait3A_670, %dma_wait3A_671] : memref<4x64x128xf32, #tpu.memory_space<vmem>> -> memref<1x64x128xf32, #tpu.memory_space<vmem>>
        %dma_wait3A_673 = tpu.memref_squeeze %dma_wait3A_672 : memref<1x64x128xf32, #tpu.memory_space<vmem>> -> memref<64x128xf32, #tpu.memory_space<vmem>>
        %dma_wait3A_674 = arith.constant 0 : i32
        %dma_wait3A_675 = tpu.memref_slice %arg6[%select_n3A_229, %select_n3A_245, %dma_wait3A_674] : memref<2x16x64xi32, #tpu.memory_space<vmem>> -> memref<1x1x64xi32, #tpu.memory_space<vmem>>
        %dma_wait3A_676 = tpu.memref_squeeze %dma_wait3A_675 : memref<1x1x64xi32, #tpu.memory_space<vmem>> -> memref<64xi32, #tpu.memory_space<vmem>>
        %dma_wait3A_677 = arith.constant 0 : i32
        %dma_wait3A_678 = arith.constant 0 : i32
        %dma_wait3A_679 = tpu.memref_slice %arg9[%dma_wait3A_677, %dma_wait3A_678] : memref<10240x128xf32, #tpu.memory_space<vmem_shared>> -> memref<10240x128xf32, #tpu.memory_space<vmem_shared>>
        tpu.wait_indirect_dma semaphore(%run_scoped3A_659 : memref<!tpu.dma_semaphore, #tpu.memory_space<semaphore_mem>>) src(%dma_wait3A_673 : memref<64x128xf32, #tpu.memory_space<vmem>>) dst(%dma_wait3A_679 : memref<10240x128xf32, #tpu.memory_space<vmem_shared>>)
        tpu.yield
      }) : () -> ()
      %add3A_247 = arith.constant 4 : i32
      %add3A_248 = arith.addi %add3A_123, %add3A_247 : i32
      %lt3A_249 = arith.constant 160 : i32
      %lt3A_250 = arith.cmpi slt, %add3A_248, %lt3A_249 : i32
      %convert_element_type3A_251 = arith.extui %lt3A_250 : i1 to i32
      %cond3A_252 = arith.constant 0 : i32
      %cond3A_253 = arith.cmpi ne, %convert_element_type3A_251, %cond3A_252 : i32
      scf.if %cond3A_253 {
        %jit3A_659 = arith.constant 16 : i32
        %div3A_660 = arith.divsi %add3A_248, %jit3A_659 : i32
        %sign3A_661 = arith.constant 0 : i32
        %sign3A_662 = arith.cmpi sgt, %add3A_248, %sign3A_661 : i32
        %sign3A_663 = arith.extui %sign3A_662 : i1 to i32
        %sign3A_664 = arith.constant 0 : i32
        %sign3A_665 = arith.cmpi slt, %add3A_248, %sign3A_664 : i32
        %sign3A_666 = arith.extui %sign3A_665 : i1 to i32
        %sign3A_667 = arith.subi %sign3A_663, %sign3A_666 : i32
        %sign3A_668 = arith.constant 0 : i32
        %sign3A_669 = arith.cmpi sgt, %jit3A_659, %sign3A_668 : i32
        %sign3A_670 = arith.extui %sign3A_669 : i1 to i32
        %sign3A_671 = arith.constant 0 : i32
        %sign3A_672 = arith.cmpi slt, %jit3A_659, %sign3A_671 : i32
        %sign3A_673 = arith.extui %sign3A_672 : i1 to i32
        %sign3A_674 = arith.subi %sign3A_670, %sign3A_673 : i32
        %ne3A_675 = arith.cmpi ne, %sign3A_667, %sign3A_674 : i32
        %rem3A_676 = arith.remsi %add3A_248, %jit3A_659 : i32
        %ne3A_677 = arith.constant 0 : i32
        %ne3A_678 = arith.cmpi ne, %rem3A_676, %ne3A_677 : i32
        %and3A_679 = arith.andi %ne3A_675, %ne3A_678 : i1
        %sub3A_680 = arith.constant 1 : i32
        %sub3A_681 = arith.subi %div3A_660, %sub3A_680 : i32
        %select_n3A_682 = arith.select %and3A_679, %sub3A_681, %div3A_660 : i32
        %jit3A_683 = arith.constant 2 : i32
        %eq3A_684 = arith.constant 0 : i32
        %eq3A_685 = arith.cmpi eq, %jit3A_683, %eq3A_684 : i32
        %jit3A_686 = arith.constant 1 : i32
        %select_n3A_687 = arith.select %eq3A_685, %jit3A_686, %jit3A_683 : i32
        %rem3A_688 = arith.remsi %select_n3A_682, %select_n3A_687 : i32
        %ne3A_689 = arith.constant 0 : i32
        %ne3A_690 = arith.cmpi ne, %rem3A_688, %ne3A_689 : i32
        %lt3A_691 = arith.constant 0 : i32
        %lt3A_692 = arith.cmpi slt, %rem3A_688, %lt3A_691 : i32
        %lt3A_693 = arith.constant 0 : i32
        %lt3A_694 = arith.cmpi slt, %select_n3A_687, %lt3A_693 : i32
        %ne3A_695 = arith.xori %lt3A_692, %lt3A_694 : i1
        %and3A_696 = arith.andi %ne3A_695, %ne3A_690 : i1
        %add3A_697 = arith.addi %rem3A_688, %select_n3A_687 : i32
        %select_n3A_698 = arith.select %and3A_696, %add3A_697, %rem3A_688 : i32
        %jit3A_699 = arith.constant 16 : i32
        %eq3A_700 = arith.constant 0 : i32
        %eq3A_701 = arith.cmpi eq, %jit3A_699, %eq3A_700 : i32
        %jit3A_702 = arith.constant 1 : i32
        %select_n3A_703 = arith.select %eq3A_701, %jit3A_702, %jit3A_699 : i32
        %rem3A_704 = arith.remsi %add3A_248, %select_n3A_703 : i32
        %ne3A_705 = arith.constant 0 : i32
        %ne3A_706 = arith.cmpi ne, %rem3A_704, %ne3A_705 : i32
        %lt3A_707 = arith.constant 0 : i32
        %lt3A_708 = arith.cmpi slt, %rem3A_704, %lt3A_707 : i32
        %lt3A_709 = arith.constant 0 : i32
        %lt3A_710 = arith.cmpi slt, %select_n3A_703, %lt3A_709 : i32
        %ne3A_711 = arith.xori %lt3A_708, %lt3A_710 : i1
        %and3A_712 = arith.andi %ne3A_711, %ne3A_706 : i1
        %add3A_713 = arith.addi %rem3A_704, %select_n3A_703 : i32
        %select_n3A_714 = arith.select %and3A_712, %add3A_713, %rem3A_704 : i32
        %dma_start3A_715 = arith.constant 0 : i32
        %dma_start3A_716 = arith.constant 0 : i32
        %dma_start3A_717 = arith.constant 0 : i32
        %dma_start3A_718 = tpu.memref_slice %arg7[%dma_start3A_715, %dma_start3A_716, %dma_start3A_717] : memref<4x64x128xf32, #tpu.memory_space<vmem>> -> memref<1x64x128xf32, #tpu.memory_space<vmem>>
        %dma_start3A_719 = tpu.memref_squeeze %dma_start3A_718 : memref<1x64x128xf32, #tpu.memory_space<vmem>> -> memref<64x128xf32, #tpu.memory_space<vmem>>
        %dma_start3A_720 = arith.constant 0 : i32
        %dma_start3A_721 = tpu.memref_slice %arg5[%select_n3A_698, %select_n3A_714, %dma_start3A_720] : memref<2x16x64xi32, #tpu.memory_space<vmem>> -> memref<1x1x64xi32, #tpu.memory_space<vmem>>
        %dma_start3A_722 = tpu.memref_squeeze %dma_start3A_721 : memref<1x1x64xi32, #tpu.memory_space<vmem>> -> memref<64xi32, #tpu.memory_space<vmem>>
        %dma_start3A_723 = arith.constant 0 : i32
        %dma_start3A_724 = arith.constant 0 : i32
        %dma_start3A_725 = tpu.memref_slice %arg3[%dma_start3A_723, %dma_start3A_724] : memref<10000x128xf32, #tpu.memory_space<hbm>> -> memref<10000x128xf32, #tpu.memory_space<hbm>>
        tpu.enqueue_indirect_dma source(%dma_start3A_725 : memref<10000x128xf32, #tpu.memory_space<hbm>>) target(%dma_start3A_719 : memref<64x128xf32, #tpu.memory_space<vmem>>) offsets(%dma_start3A_722 : memref<64xi32, #tpu.memory_space<vmem>>) semaphore(%arg10 : memref<!tpu.dma_semaphore, #tpu.memory_space<semaphore_mem>>)
      } else {
      }
      %mul3A_254 = arith.constant 4 : i32
      %mul3A_255 = arith.muli %add3A_81, %mul3A_254 : i32
      %add3A_256 = arith.constant 1 : i32
      %add3A_257 = arith.addi %mul3A_255, %add3A_256 : i32
      %jit3A_258 = arith.constant 16 : i32
      %div3A_259 = arith.divsi %add3A_257, %jit3A_258 : i32
      %sign3A_260 = arith.constant 0 : i32
      %sign3A_261 = arith.cmpi sgt, %add3A_257, %sign3A_260 : i32
      %sign3A_262 = arith.extui %sign3A_261 : i1 to i32
      %sign3A_263 = arith.constant 0 : i32
      %sign3A_264 = arith.cmpi slt, %add3A_257, %sign3A_263 : i32
      %sign3A_265 = arith.extui %sign3A_264 : i1 to i32
      %sign3A_266 = arith.subi %sign3A_262, %sign3A_265 : i32
      %sign3A_267 = arith.constant 0 : i32
      %sign3A_268 = arith.cmpi sgt, %jit3A_258, %sign3A_267 : i32
      %sign3A_269 = arith.extui %sign3A_268 : i1 to i32
      %sign3A_270 = arith.constant 0 : i32
      %sign3A_271 = arith.cmpi slt, %jit3A_258, %sign3A_270 : i32
      %sign3A_272 = arith.extui %sign3A_271 : i1 to i32
      %sign3A_273 = arith.subi %sign3A_269, %sign3A_272 : i32
      %ne3A_274 = arith.cmpi ne, %sign3A_266, %sign3A_273 : i32
      %rem3A_275 = arith.remsi %add3A_257, %jit3A_258 : i32
      %ne3A_276 = arith.constant 0 : i32
      %ne3A_277 = arith.cmpi ne, %rem3A_275, %ne3A_276 : i32
      %and3A_278 = arith.andi %ne3A_274, %ne3A_277 : i1
      %sub3A_279 = arith.constant 1 : i32
      %sub3A_280 = arith.subi %div3A_259, %sub3A_279 : i32
      %select_n3A_281 = arith.select %and3A_278, %sub3A_280, %div3A_259 : i32
      %jit3A_282 = arith.constant 2 : i32
      %eq3A_283 = arith.constant 0 : i32
      %eq3A_284 = arith.cmpi eq, %jit3A_282, %eq3A_283 : i32
      %jit3A_285 = arith.constant 1 : i32
      %select_n3A_286 = arith.select %eq3A_284, %jit3A_285, %jit3A_282 : i32
      %rem3A_287 = arith.remsi %select_n3A_281, %select_n3A_286 : i32
      %ne3A_288 = arith.constant 0 : i32
      %ne3A_289 = arith.cmpi ne, %rem3A_287, %ne3A_288 : i32
      %lt3A_290 = arith.constant 0 : i32
      %lt3A_291 = arith.cmpi slt, %rem3A_287, %lt3A_290 : i32
      %lt3A_292 = arith.constant 0 : i32
      %lt3A_293 = arith.cmpi slt, %select_n3A_286, %lt3A_292 : i32
      %ne3A_294 = arith.xori %lt3A_291, %lt3A_293 : i1
      %and3A_295 = arith.andi %ne3A_294, %ne3A_289 : i1
      %add3A_296 = arith.addi %rem3A_287, %select_n3A_286 : i32
      %select_n3A_297 = arith.select %and3A_295, %add3A_296, %rem3A_287 : i32
      %jit3A_298 = arith.constant 16 : i32
      %eq3A_299 = arith.constant 0 : i32
      %eq3A_300 = arith.cmpi eq, %jit3A_298, %eq3A_299 : i32
      %jit3A_301 = arith.constant 1 : i32
      %select_n3A_302 = arith.select %eq3A_300, %jit3A_301, %jit3A_298 : i32
      %rem3A_303 = arith.remsi %add3A_257, %select_n3A_302 : i32
      %ne3A_304 = arith.constant 0 : i32
      %ne3A_305 = arith.cmpi ne, %rem3A_303, %ne3A_304 : i32
      %lt3A_306 = arith.constant 0 : i32
      %lt3A_307 = arith.cmpi slt, %rem3A_303, %lt3A_306 : i32
      %lt3A_308 = arith.constant 0 : i32
      %lt3A_309 = arith.cmpi slt, %select_n3A_302, %lt3A_308 : i32
      %ne3A_310 = arith.xori %lt3A_307, %lt3A_309 : i1
      %and3A_311 = arith.andi %ne3A_310, %ne3A_305 : i1
      %add3A_312 = arith.addi %rem3A_303, %select_n3A_302 : i32
      %select_n3A_313 = arith.select %and3A_311, %add3A_312, %rem3A_303 : i32
      %dma_wait3A_314 = arith.constant 1 : i32
      %dma_wait3A_315 = arith.constant 0 : i32
      %dma_wait3A_316 = arith.constant 0 : i32
      %dma_wait3A_317 = tpu.memref_slice %arg7[%dma_wait3A_314, %dma_wait3A_315, %dma_wait3A_316] : memref<4x64x128xf32, #tpu.memory_space<vmem>> -> memref<1x64x128xf32, #tpu.memory_space<vmem>>
      %dma_wait3A_318 = tpu.memref_squeeze %dma_wait3A_317 : memref<1x64x128xf32, #tpu.memory_space<vmem>> -> memref<64x128xf32, #tpu.memory_space<vmem>>
      %dma_wait3A_319 = arith.constant 0 : i32
      %dma_wait3A_320 = tpu.memref_slice %arg5[%select_n3A_297, %select_n3A_313, %dma_wait3A_319] : memref<2x16x64xi32, #tpu.memory_space<vmem>> -> memref<1x1x64xi32, #tpu.memory_space<vmem>>
      %dma_wait3A_321 = tpu.memref_squeeze %dma_wait3A_320 : memref<1x1x64xi32, #tpu.memory_space<vmem>> -> memref<64xi32, #tpu.memory_space<vmem>>
      %dma_wait3A_322 = arith.constant 0 : i32
      %dma_wait3A_323 = arith.constant 0 : i32
      %dma_wait3A_324 = tpu.memref_slice %arg3[%dma_wait3A_322, %dma_wait3A_323] : memref<10000x128xf32, #tpu.memory_space<hbm>> -> memref<10000x128xf32, #tpu.memory_space<hbm>>
      tpu.wait_indirect_dma semaphore(%arg11 : memref<!tpu.dma_semaphore, #tpu.memory_space<semaphore_mem>>) src(%dma_wait3A_324 : memref<10000x128xf32, #tpu.memory_space<hbm>>) dst(%dma_wait3A_318 : memref<64x128xf32, #tpu.memory_space<vmem>>)
      %jit3A_325 = arith.constant 16 : i32
      %div3A_326 = arith.divsi %add3A_257, %jit3A_325 : i32
      %sign3A_327 = arith.constant 0 : i32
      %sign3A_328 = arith.cmpi sgt, %add3A_257, %sign3A_327 : i32
      %sign3A_329 = arith.extui %sign3A_328 : i1 to i32
      %sign3A_330 = arith.constant 0 : i32
      %sign3A_331 = arith.cmpi slt, %add3A_257, %sign3A_330 : i32
      %sign3A_332 = arith.extui %sign3A_331 : i1 to i32
      %sign3A_333 = arith.subi %sign3A_329, %sign3A_332 : i32
      %sign3A_334 = arith.constant 0 : i32
      %sign3A_335 = arith.cmpi sgt, %jit3A_325, %sign3A_334 : i32
      %sign3A_336 = arith.extui %sign3A_335 : i1 to i32
      %sign3A_337 = arith.constant 0 : i32
      %sign3A_338 = arith.cmpi slt, %jit3A_325, %sign3A_337 : i32
      %sign3A_339 = arith.extui %sign3A_338 : i1 to i32
      %sign3A_340 = arith.subi %sign3A_336, %sign3A_339 : i32
      %ne3A_341 = arith.cmpi ne, %sign3A_333, %sign3A_340 : i32
      %rem3A_342 = arith.remsi %add3A_257, %jit3A_325 : i32
      %ne3A_343 = arith.constant 0 : i32
      %ne3A_344 = arith.cmpi ne, %rem3A_342, %ne3A_343 : i32
      %and3A_345 = arith.andi %ne3A_341, %ne3A_344 : i1
      %sub3A_346 = arith.constant 1 : i32
      %sub3A_347 = arith.subi %div3A_326, %sub3A_346 : i32
      %select_n3A_348 = arith.select %and3A_345, %sub3A_347, %div3A_326 : i32
      %jit3A_349 = arith.constant 2 : i32
      %eq3A_350 = arith.constant 0 : i32
      %eq3A_351 = arith.cmpi eq, %jit3A_349, %eq3A_350 : i32
      %jit3A_352 = arith.constant 1 : i32
      %select_n3A_353 = arith.select %eq3A_351, %jit3A_352, %jit3A_349 : i32
      %rem3A_354 = arith.remsi %select_n3A_348, %select_n3A_353 : i32
      %ne3A_355 = arith.constant 0 : i32
      %ne3A_356 = arith.cmpi ne, %rem3A_354, %ne3A_355 : i32
      %lt3A_357 = arith.constant 0 : i32
      %lt3A_358 = arith.cmpi slt, %rem3A_354, %lt3A_357 : i32
      %lt3A_359 = arith.constant 0 : i32
      %lt3A_360 = arith.cmpi slt, %select_n3A_353, %lt3A_359 : i32
      %ne3A_361 = arith.xori %lt3A_358, %lt3A_360 : i1
      %and3A_362 = arith.andi %ne3A_361, %ne3A_356 : i1
      %add3A_363 = arith.addi %rem3A_354, %select_n3A_353 : i32
      %select_n3A_364 = arith.select %and3A_362, %add3A_363, %rem3A_354 : i32
      %jit3A_365 = arith.constant 16 : i32
      %eq3A_366 = arith.constant 0 : i32
      %eq3A_367 = arith.cmpi eq, %jit3A_365, %eq3A_366 : i32
      %jit3A_368 = arith.constant 1 : i32
      %select_n3A_369 = arith.select %eq3A_367, %jit3A_368, %jit3A_365 : i32
      %rem3A_370 = arith.remsi %add3A_257, %select_n3A_369 : i32
      %ne3A_371 = arith.constant 0 : i32
      %ne3A_372 = arith.cmpi ne, %rem3A_370, %ne3A_371 : i32
      %lt3A_373 = arith.constant 0 : i32
      %lt3A_374 = arith.cmpi slt, %rem3A_370, %lt3A_373 : i32
      %lt3A_375 = arith.constant 0 : i32
      %lt3A_376 = arith.cmpi slt, %select_n3A_369, %lt3A_375 : i32
      %ne3A_377 = arith.xori %lt3A_374, %lt3A_376 : i1
      %and3A_378 = arith.andi %ne3A_377, %ne3A_372 : i1
      %add3A_379 = arith.addi %rem3A_370, %select_n3A_369 : i32
      %select_n3A_380 = arith.select %and3A_378, %add3A_379, %rem3A_370 : i32
      %run_scoped3A_381 = arith.constant 1 : i32
      "tpu.region"() ({
        %run_scoped3A_659 = tpu.sem_alloc : memref<!tpu.dma_semaphore, #tpu.memory_space<semaphore_mem>>
        %dma_start3A_660 = arith.constant 0 : i32
        %dma_start3A_661 = arith.constant 0 : i32
        %dma_start3A_662 = tpu.memref_slice %arg7[%run_scoped3A_381, %dma_start3A_660, %dma_start3A_661] : memref<4x64x128xf32, #tpu.memory_space<vmem>> -> memref<1x64x128xf32, #tpu.memory_space<vmem>>
        %dma_start3A_663 = tpu.memref_squeeze %dma_start3A_662 : memref<1x64x128xf32, #tpu.memory_space<vmem>> -> memref<64x128xf32, #tpu.memory_space<vmem>>
        %dma_start3A_664 = arith.constant 0 : i32
        %dma_start3A_665 = tpu.memref_slice %arg6[%select_n3A_364, %select_n3A_380, %dma_start3A_664] : memref<2x16x64xi32, #tpu.memory_space<vmem>> -> memref<1x1x64xi32, #tpu.memory_space<vmem>>
        %dma_start3A_666 = tpu.memref_squeeze %dma_start3A_665 : memref<1x1x64xi32, #tpu.memory_space<vmem>> -> memref<64xi32, #tpu.memory_space<vmem>>
        %dma_start3A_667 = arith.constant 0 : i32
        %dma_start3A_668 = arith.constant 0 : i32
        %dma_start3A_669 = tpu.memref_slice %arg9[%dma_start3A_667, %dma_start3A_668] : memref<10240x128xf32, #tpu.memory_space<vmem_shared>> -> memref<10240x128xf32, #tpu.memory_space<vmem_shared>>
        tpu.enqueue_indirect_dma source(%dma_start3A_663 : memref<64x128xf32, #tpu.memory_space<vmem>>) target(%dma_start3A_669 : memref<10240x128xf32, #tpu.memory_space<vmem_shared>>) offsets(%dma_start3A_666 : memref<64xi32, #tpu.memory_space<vmem>>) semaphore(%run_scoped3A_659 : memref<!tpu.dma_semaphore, #tpu.memory_space<semaphore_mem>>) {add = true}
        %dma_wait3A_670 = arith.constant 0 : i32
        %dma_wait3A_671 = arith.constant 0 : i32
        %dma_wait3A_672 = tpu.memref_slice %arg7[%run_scoped3A_381, %dma_wait3A_670, %dma_wait3A_671] : memref<4x64x128xf32, #tpu.memory_space<vmem>> -> memref<1x64x128xf32, #tpu.memory_space<vmem>>
        %dma_wait3A_673 = tpu.memref_squeeze %dma_wait3A_672 : memref<1x64x128xf32, #tpu.memory_space<vmem>> -> memref<64x128xf32, #tpu.memory_space<vmem>>
        %dma_wait3A_674 = arith.constant 0 : i32
        %dma_wait3A_675 = tpu.memref_slice %arg6[%select_n3A_364, %select_n3A_380, %dma_wait3A_674] : memref<2x16x64xi32, #tpu.memory_space<vmem>> -> memref<1x1x64xi32, #tpu.memory_space<vmem>>
        %dma_wait3A_676 = tpu.memref_squeeze %dma_wait3A_675 : memref<1x1x64xi32, #tpu.memory_space<vmem>> -> memref<64xi32, #tpu.memory_space<vmem>>
        %dma_wait3A_677 = arith.constant 0 : i32
        %dma_wait3A_678 = arith.constant 0 : i32
        %dma_wait3A_679 = tpu.memref_slice %arg9[%dma_wait3A_677, %dma_wait3A_678] : memref<10240x128xf32, #tpu.memory_space<vmem_shared>> -> memref<10240x128xf32, #tpu.memory_space<vmem_shared>>
        tpu.wait_indirect_dma semaphore(%run_scoped3A_659 : memref<!tpu.dma_semaphore, #tpu.memory_space<semaphore_mem>>) src(%dma_wait3A_673 : memref<64x128xf32, #tpu.memory_space<vmem>>) dst(%dma_wait3A_679 : memref<10240x128xf32, #tpu.memory_space<vmem_shared>>)
        tpu.yield
      }) : () -> ()
      %add3A_382 = arith.constant 4 : i32
      %add3A_383 = arith.addi %add3A_257, %add3A_382 : i32
      %lt3A_384 = arith.constant 160 : i32
      %lt3A_385 = arith.cmpi slt, %add3A_383, %lt3A_384 : i32
      %convert_element_type3A_386 = arith.extui %lt3A_385 : i1 to i32
      %cond3A_387 = arith.constant 0 : i32
      %cond3A_388 = arith.cmpi ne, %convert_element_type3A_386, %cond3A_387 : i32
      scf.if %cond3A_388 {
        %jit3A_659 = arith.constant 16 : i32
        %div3A_660 = arith.divsi %add3A_383, %jit3A_659 : i32
        %sign3A_661 = arith.constant 0 : i32
        %sign3A_662 = arith.cmpi sgt, %add3A_383, %sign3A_661 : i32
        %sign3A_663 = arith.extui %sign3A_662 : i1 to i32
        %sign3A_664 = arith.constant 0 : i32
        %sign3A_665 = arith.cmpi slt, %add3A_383, %sign3A_664 : i32
        %sign3A_666 = arith.extui %sign3A_665 : i1 to i32
        %sign3A_667 = arith.subi %sign3A_663, %sign3A_666 : i32
        %sign3A_668 = arith.constant 0 : i32
        %sign3A_669 = arith.cmpi sgt, %jit3A_659, %sign3A_668 : i32
        %sign3A_670 = arith.extui %sign3A_669 : i1 to i32
        %sign3A_671 = arith.constant 0 : i32
        %sign3A_672 = arith.cmpi slt, %jit3A_659, %sign3A_671 : i32
        %sign3A_673 = arith.extui %sign3A_672 : i1 to i32
        %sign3A_674 = arith.subi %sign3A_670, %sign3A_673 : i32
        %ne3A_675 = arith.cmpi ne, %sign3A_667, %sign3A_674 : i32
        %rem3A_676 = arith.remsi %add3A_383, %jit3A_659 : i32
        %ne3A_677 = arith.constant 0 : i32
        %ne3A_678 = arith.cmpi ne, %rem3A_676, %ne3A_677 : i32
        %and3A_679 = arith.andi %ne3A_675, %ne3A_678 : i1
        %sub3A_680 = arith.constant 1 : i32
        %sub3A_681 = arith.subi %div3A_660, %sub3A_680 : i32
        %select_n3A_682 = arith.select %and3A_679, %sub3A_681, %div3A_660 : i32
        %jit3A_683 = arith.constant 2 : i32
        %eq3A_684 = arith.constant 0 : i32
        %eq3A_685 = arith.cmpi eq, %jit3A_683, %eq3A_684 : i32
        %jit3A_686 = arith.constant 1 : i32
        %select_n3A_687 = arith.select %eq3A_685, %jit3A_686, %jit3A_683 : i32
        %rem3A_688 = arith.remsi %select_n3A_682, %select_n3A_687 : i32
        %ne3A_689 = arith.constant 0 : i32
        %ne3A_690 = arith.cmpi ne, %rem3A_688, %ne3A_689 : i32
        %lt3A_691 = arith.constant 0 : i32
        %lt3A_692 = arith.cmpi slt, %rem3A_688, %lt3A_691 : i32
        %lt3A_693 = arith.constant 0 : i32
        %lt3A_694 = arith.cmpi slt, %select_n3A_687, %lt3A_693 : i32
        %ne3A_695 = arith.xori %lt3A_692, %lt3A_694 : i1
        %and3A_696 = arith.andi %ne3A_695, %ne3A_690 : i1
        %add3A_697 = arith.addi %rem3A_688, %select_n3A_687 : i32
        %select_n3A_698 = arith.select %and3A_696, %add3A_697, %rem3A_688 : i32
        %jit3A_699 = arith.constant 16 : i32
        %eq3A_700 = arith.constant 0 : i32
        %eq3A_701 = arith.cmpi eq, %jit3A_699, %eq3A_700 : i32
        %jit3A_702 = arith.constant 1 : i32
        %select_n3A_703 = arith.select %eq3A_701, %jit3A_702, %jit3A_699 : i32
        %rem3A_704 = arith.remsi %add3A_383, %select_n3A_703 : i32
        %ne3A_705 = arith.constant 0 : i32
        %ne3A_706 = arith.cmpi ne, %rem3A_704, %ne3A_705 : i32
        %lt3A_707 = arith.constant 0 : i32
        %lt3A_708 = arith.cmpi slt, %rem3A_704, %lt3A_707 : i32
        %lt3A_709 = arith.constant 0 : i32
        %lt3A_710 = arith.cmpi slt, %select_n3A_703, %lt3A_709 : i32
        %ne3A_711 = arith.xori %lt3A_708, %lt3A_710 : i1
        %and3A_712 = arith.andi %ne3A_711, %ne3A_706 : i1
        %add3A_713 = arith.addi %rem3A_704, %select_n3A_703 : i32
        %select_n3A_714 = arith.select %and3A_712, %add3A_713, %rem3A_704 : i32
        %dma_start3A_715 = arith.constant 1 : i32
        %dma_start3A_716 = arith.constant 0 : i32
        %dma_start3A_717 = arith.constant 0 : i32
        %dma_start3A_718 = tpu.memref_slice %arg7[%dma_start3A_715, %dma_start3A_716, %dma_start3A_717] : memref<4x64x128xf32, #tpu.memory_space<vmem>> -> memref<1x64x128xf32, #tpu.memory_space<vmem>>
        %dma_start3A_719 = tpu.memref_squeeze %dma_start3A_718 : memref<1x64x128xf32, #tpu.memory_space<vmem>> -> memref<64x128xf32, #tpu.memory_space<vmem>>
        %dma_start3A_720 = arith.constant 0 : i32
        %dma_start3A_721 = tpu.memref_slice %arg5[%select_n3A_698, %select_n3A_714, %dma_start3A_720] : memref<2x16x64xi32, #tpu.memory_space<vmem>> -> memref<1x1x64xi32, #tpu.memory_space<vmem>>
        %dma_start3A_722 = tpu.memref_squeeze %dma_start3A_721 : memref<1x1x64xi32, #tpu.memory_space<vmem>> -> memref<64xi32, #tpu.memory_space<vmem>>
        %dma_start3A_723 = arith.constant 0 : i32
        %dma_start3A_724 = arith.constant 0 : i32
        %dma_start3A_725 = tpu.memref_slice %arg3[%dma_start3A_723, %dma_start3A_724] : memref<10000x128xf32, #tpu.memory_space<hbm>> -> memref<10000x128xf32, #tpu.memory_space<hbm>>
        tpu.enqueue_indirect_dma source(%dma_start3A_725 : memref<10000x128xf32, #tpu.memory_space<hbm>>) target(%dma_start3A_719 : memref<64x128xf32, #tpu.memory_space<vmem>>) offsets(%dma_start3A_722 : memref<64xi32, #tpu.memory_space<vmem>>) semaphore(%arg11 : memref<!tpu.dma_semaphore, #tpu.memory_space<semaphore_mem>>)
      } else {
      }
      %mul3A_389 = arith.constant 4 : i32
      %mul3A_390 = arith.muli %add3A_81, %mul3A_389 : i32
      %add3A_391 = arith.constant 2 : i32
      %add3A_392 = arith.addi %mul3A_390, %add3A_391 : i32
      %jit3A_393 = arith.constant 16 : i32
      %div3A_394 = arith.divsi %add3A_392, %jit3A_393 : i32
      %sign3A_395 = arith.constant 0 : i32
      %sign3A_396 = arith.cmpi sgt, %add3A_392, %sign3A_395 : i32
      %sign3A_397 = arith.extui %sign3A_396 : i1 to i32
      %sign3A_398 = arith.constant 0 : i32
      %sign3A_399 = arith.cmpi slt, %add3A_392, %sign3A_398 : i32
      %sign3A_400 = arith.extui %sign3A_399 : i1 to i32
      %sign3A_401 = arith.subi %sign3A_397, %sign3A_400 : i32
      %sign3A_402 = arith.constant 0 : i32
      %sign3A_403 = arith.cmpi sgt, %jit3A_393, %sign3A_402 : i32
      %sign3A_404 = arith.extui %sign3A_403 : i1 to i32
      %sign3A_405 = arith.constant 0 : i32
      %sign3A_406 = arith.cmpi slt, %jit3A_393, %sign3A_405 : i32
      %sign3A_407 = arith.extui %sign3A_406 : i1 to i32
      %sign3A_408 = arith.subi %sign3A_404, %sign3A_407 : i32
      %ne3A_409 = arith.cmpi ne, %sign3A_401, %sign3A_408 : i32
      %rem3A_410 = arith.remsi %add3A_392, %jit3A_393 : i32
      %ne3A_411 = arith.constant 0 : i32
      %ne3A_412 = arith.cmpi ne, %rem3A_410, %ne3A_411 : i32
      %and3A_413 = arith.andi %ne3A_409, %ne3A_412 : i1
      %sub3A_414 = arith.constant 1 : i32
      %sub3A_415 = arith.subi %div3A_394, %sub3A_414 : i32
      %select_n3A_416 = arith.select %and3A_413, %sub3A_415, %div3A_394 : i32
      %jit3A_417 = arith.constant 2 : i32
      %eq3A_418 = arith.constant 0 : i32
      %eq3A_419 = arith.cmpi eq, %jit3A_417, %eq3A_418 : i32
      %jit3A_420 = arith.constant 1 : i32
      %select_n3A_421 = arith.select %eq3A_419, %jit3A_420, %jit3A_417 : i32
      %rem3A_422 = arith.remsi %select_n3A_416, %select_n3A_421 : i32
      %ne3A_423 = arith.constant 0 : i32
      %ne3A_424 = arith.cmpi ne, %rem3A_422, %ne3A_423 : i32
      %lt3A_425 = arith.constant 0 : i32
      %lt3A_426 = arith.cmpi slt, %rem3A_422, %lt3A_425 : i32
      %lt3A_427 = arith.constant 0 : i32
      %lt3A_428 = arith.cmpi slt, %select_n3A_421, %lt3A_427 : i32
      %ne3A_429 = arith.xori %lt3A_426, %lt3A_428 : i1
      %and3A_430 = arith.andi %ne3A_429, %ne3A_424 : i1
      %add3A_431 = arith.addi %rem3A_422, %select_n3A_421 : i32
      %select_n3A_432 = arith.select %and3A_430, %add3A_431, %rem3A_422 : i32
      %jit3A_433 = arith.constant 16 : i32
      %eq3A_434 = arith.constant 0 : i32
      %eq3A_435 = arith.cmpi eq, %jit3A_433, %eq3A_434 : i32
      %jit3A_436 = arith.constant 1 : i32
      %select_n3A_437 = arith.select %eq3A_435, %jit3A_436, %jit3A_433 : i32
      %rem3A_438 = arith.remsi %add3A_392, %select_n3A_437 : i32
      %ne3A_439 = arith.constant 0 : i32
      %ne3A_440 = arith.cmpi ne, %rem3A_438, %ne3A_439 : i32
      %lt3A_441 = arith.constant 0 : i32
      %lt3A_442 = arith.cmpi slt, %rem3A_438, %lt3A_441 : i32
      %lt3A_443 = arith.constant 0 : i32
      %lt3A_444 = arith.cmpi slt, %select_n3A_437, %lt3A_443 : i32
      %ne3A_445 = arith.xori %lt3A_442, %lt3A_444 : i1
      %and3A_446 = arith.andi %ne3A_445, %ne3A_440 : i1
      %add3A_447 = arith.addi %rem3A_438, %select_n3A_437 : i32
      %select_n3A_448 = arith.select %and3A_446, %add3A_447, %rem3A_438 : i32
      %dma_wait3A_449 = arith.constant 2 : i32
      %dma_wait3A_450 = arith.constant 0 : i32
      %dma_wait3A_451 = arith.constant 0 : i32
      %dma_wait3A_452 = tpu.memref_slice %arg7[%dma_wait3A_449, %dma_wait3A_450, %dma_wait3A_451] : memref<4x64x128xf32, #tpu.memory_space<vmem>> -> memref<1x64x128xf32, #tpu.memory_space<vmem>>
      %dma_wait3A_453 = tpu.memref_squeeze %dma_wait3A_452 : memref<1x64x128xf32, #tpu.memory_space<vmem>> -> memref<64x128xf32, #tpu.memory_space<vmem>>
      %dma_wait3A_454 = arith.constant 0 : i32
      %dma_wait3A_455 = tpu.memref_slice %arg5[%select_n3A_432, %select_n3A_448, %dma_wait3A_454] : memref<2x16x64xi32, #tpu.memory_space<vmem>> -> memref<1x1x64xi32, #tpu.memory_space<vmem>>
      %dma_wait3A_456 = tpu.memref_squeeze %dma_wait3A_455 : memref<1x1x64xi32, #tpu.memory_space<vmem>> -> memref<64xi32, #tpu.memory_space<vmem>>
      %dma_wait3A_457 = arith.constant 0 : i32
      %dma_wait3A_458 = arith.constant 0 : i32
      %dma_wait3A_459 = tpu.memref_slice %arg3[%dma_wait3A_457, %dma_wait3A_458] : memref<10000x128xf32, #tpu.memory_space<hbm>> -> memref<10000x128xf32, #tpu.memory_space<hbm>>
      tpu.wait_indirect_dma semaphore(%arg12 : memref<!tpu.dma_semaphore, #tpu.memory_space<semaphore_mem>>) src(%dma_wait3A_459 : memref<10000x128xf32, #tpu.memory_space<hbm>>) dst(%dma_wait3A_453 : memref<64x128xf32, #tpu.memory_space<vmem>>)
      %jit3A_460 = arith.constant 16 : i32
      %div3A_461 = arith.divsi %add3A_392, %jit3A_460 : i32
      %sign3A_462 = arith.constant 0 : i32
      %sign3A_463 = arith.cmpi sgt, %add3A_392, %sign3A_462 : i32
      %sign3A_464 = arith.extui %sign3A_463 : i1 to i32
      %sign3A_465 = arith.constant 0 : i32
      %sign3A_466 = arith.cmpi slt, %add3A_392, %sign3A_465 : i32
      %sign3A_467 = arith.extui %sign3A_466 : i1 to i32
      %sign3A_468 = arith.subi %sign3A_464, %sign3A_467 : i32
      %sign3A_469 = arith.constant 0 : i32
      %sign3A_470 = arith.cmpi sgt, %jit3A_460, %sign3A_469 : i32
      %sign3A_471 = arith.extui %sign3A_470 : i1 to i32
      %sign3A_472 = arith.constant 0 : i32
      %sign3A_473 = arith.cmpi slt, %jit3A_460, %sign3A_472 : i32
      %sign3A_474 = arith.extui %sign3A_473 : i1 to i32
      %sign3A_475 = arith.subi %sign3A_471, %sign3A_474 : i32
      %ne3A_476 = arith.cmpi ne, %sign3A_468, %sign3A_475 : i32
      %rem3A_477 = arith.remsi %add3A_392, %jit3A_460 : i32
      %ne3A_478 = arith.constant 0 : i32
      %ne3A_479 = arith.cmpi ne, %rem3A_477, %ne3A_478 : i32
      %and3A_480 = arith.andi %ne3A_476, %ne3A_479 : i1
      %sub3A_481 = arith.constant 1 : i32
      %sub3A_482 = arith.subi %div3A_461, %sub3A_481 : i32
      %select_n3A_483 = arith.select %and3A_480, %sub3A_482, %div3A_461 : i32
      %jit3A_484 = arith.constant 2 : i32
      %eq3A_485 = arith.constant 0 : i32
      %eq3A_486 = arith.cmpi eq, %jit3A_484, %eq3A_485 : i32
      %jit3A_487 = arith.constant 1 : i32
      %select_n3A_488 = arith.select %eq3A_486, %jit3A_487, %jit3A_484 : i32
      %rem3A_489 = arith.remsi %select_n3A_483, %select_n3A_488 : i32
      %ne3A_490 = arith.constant 0 : i32
      %ne3A_491 = arith.cmpi ne, %rem3A_489, %ne3A_490 : i32
      %lt3A_492 = arith.constant 0 : i32
      %lt3A_493 = arith.cmpi slt, %rem3A_489, %lt3A_492 : i32
      %lt3A_494 = arith.constant 0 : i32
      %lt3A_495 = arith.cmpi slt, %select_n3A_488, %lt3A_494 : i32
      %ne3A_496 = arith.xori %lt3A_493, %lt3A_495 : i1
      %and3A_497 = arith.andi %ne3A_496, %ne3A_491 : i1
      %add3A_498 = arith.addi %rem3A_489, %select_n3A_488 : i32
      %select_n3A_499 = arith.select %and3A_497, %add3A_498, %rem3A_489 : i32
      %jit3A_500 = arith.constant 16 : i32
      %eq3A_501 = arith.constant 0 : i32
      %eq3A_502 = arith.cmpi eq, %jit3A_500, %eq3A_501 : i32
      %jit3A_503 = arith.constant 1 : i32
      %select_n3A_504 = arith.select %eq3A_502, %jit3A_503, %jit3A_500 : i32
      %rem3A_505 = arith.remsi %add3A_392, %select_n3A_504 : i32
      %ne3A_506 = arith.constant 0 : i32
      %ne3A_507 = arith.cmpi ne, %rem3A_505, %ne3A_506 : i32
      %lt3A_508 = arith.constant 0 : i32
      %lt3A_509 = arith.cmpi slt, %rem3A_505, %lt3A_508 : i32
      %lt3A_510 = arith.constant 0 : i32
      %lt3A_511 = arith.cmpi slt, %select_n3A_504, %lt3A_510 : i32
      %ne3A_512 = arith.xori %lt3A_509, %lt3A_511 : i1
      %and3A_513 = arith.andi %ne3A_512, %ne3A_507 : i1
      %add3A_514 = arith.addi %rem3A_505, %select_n3A_504 : i32
      %select_n3A_515 = arith.select %and3A_513, %add3A_514, %rem3A_505 : i32
      %run_scoped3A_516 = arith.constant 2 : i32
      "tpu.region"() ({
        %run_scoped3A_659 = tpu.sem_alloc : memref<!tpu.dma_semaphore, #tpu.memory_space<semaphore_mem>>
        %dma_start3A_660 = arith.constant 0 : i32
        %dma_start3A_661 = arith.constant 0 : i32
        %dma_start3A_662 = tpu.memref_slice %arg7[%run_scoped3A_516, %dma_start3A_660, %dma_start3A_661] : memref<4x64x128xf32, #tpu.memory_space<vmem>> -> memref<1x64x128xf32, #tpu.memory_space<vmem>>
        %dma_start3A_663 = tpu.memref_squeeze %dma_start3A_662 : memref<1x64x128xf32, #tpu.memory_space<vmem>> -> memref<64x128xf32, #tpu.memory_space<vmem>>
        %dma_start3A_664 = arith.constant 0 : i32
        %dma_start3A_665 = tpu.memref_slice %arg6[%select_n3A_499, %select_n3A_515, %dma_start3A_664] : memref<2x16x64xi32, #tpu.memory_space<vmem>> -> memref<1x1x64xi32, #tpu.memory_space<vmem>>
        %dma_start3A_666 = tpu.memref_squeeze %dma_start3A_665 : memref<1x1x64xi32, #tpu.memory_space<vmem>> -> memref<64xi32, #tpu.memory_space<vmem>>
        %dma_start3A_667 = arith.constant 0 : i32
        %dma_start3A_668 = arith.constant 0 : i32
        %dma_start3A_669 = tpu.memref_slice %arg9[%dma_start3A_667, %dma_start3A_668] : memref<10240x128xf32, #tpu.memory_space<vmem_shared>> -> memref<10240x128xf32, #tpu.memory_space<vmem_shared>>
        tpu.enqueue_indirect_dma source(%dma_start3A_663 : memref<64x128xf32, #tpu.memory_space<vmem>>) target(%dma_start3A_669 : memref<10240x128xf32, #tpu.memory_space<vmem_shared>>) offsets(%dma_start3A_666 : memref<64xi32, #tpu.memory_space<vmem>>) semaphore(%run_scoped3A_659 : memref<!tpu.dma_semaphore, #tpu.memory_space<semaphore_mem>>) {add = true}
        %dma_wait3A_670 = arith.constant 0 : i32
        %dma_wait3A_671 = arith.constant 0 : i32
        %dma_wait3A_672 = tpu.memref_slice %arg7[%run_scoped3A_516, %dma_wait3A_670, %dma_wait3A_671] : memref<4x64x128xf32, #tpu.memory_space<vmem>> -> memref<1x64x128xf32, #tpu.memory_space<vmem>>
        %dma_wait3A_673 = tpu.memref_squeeze %dma_wait3A_672 : memref<1x64x128xf32, #tpu.memory_space<vmem>> -> memref<64x128xf32, #tpu.memory_space<vmem>>
        %dma_wait3A_674 = arith.constant 0 : i32
        %dma_wait3A_675 = tpu.memref_slice %arg6[%select_n3A_499, %select_n3A_515, %dma_wait3A_674] : memref<2x16x64xi32, #tpu.memory_space<vmem>> -> memref<1x1x64xi32, #tpu.memory_space<vmem>>
        %dma_wait3A_676 = tpu.memref_squeeze %dma_wait3A_675 : memref<1x1x64xi32, #tpu.memory_space<vmem>> -> memref<64xi32, #tpu.memory_space<vmem>>
        %dma_wait3A_677 = arith.constant 0 : i32
        %dma_wait3A_678 = arith.constant 0 : i32
        %dma_wait3A_679 = tpu.memref_slice %arg9[%dma_wait3A_677, %dma_wait3A_678] : memref<10240x128xf32, #tpu.memory_space<vmem_shared>> -> memref<10240x128xf32, #tpu.memory_space<vmem_shared>>
        tpu.wait_indirect_dma semaphore(%run_scoped3A_659 : memref<!tpu.dma_semaphore, #tpu.memory_space<semaphore_mem>>) src(%dma_wait3A_673 : memref<64x128xf32, #tpu.memory_space<vmem>>) dst(%dma_wait3A_679 : memref<10240x128xf32, #tpu.memory_space<vmem_shared>>)
        tpu.yield
      }) : () -> ()
      %add3A_517 = arith.constant 4 : i32
      %add3A_518 = arith.addi %add3A_392, %add3A_517 : i32
      %lt3A_519 = arith.constant 160 : i32
      %lt3A_520 = arith.cmpi slt, %add3A_518, %lt3A_519 : i32
      %convert_element_type3A_521 = arith.extui %lt3A_520 : i1 to i32
      %cond3A_522 = arith.constant 0 : i32
      %cond3A_523 = arith.cmpi ne, %convert_element_type3A_521, %cond3A_522 : i32
      scf.if %cond3A_523 {
        %jit3A_659 = arith.constant 16 : i32
        %div3A_660 = arith.divsi %add3A_518, %jit3A_659 : i32
        %sign3A_661 = arith.constant 0 : i32
        %sign3A_662 = arith.cmpi sgt, %add3A_518, %sign3A_661 : i32
        %sign3A_663 = arith.extui %sign3A_662 : i1 to i32
        %sign3A_664 = arith.constant 0 : i32
        %sign3A_665 = arith.cmpi slt, %add3A_518, %sign3A_664 : i32
        %sign3A_666 = arith.extui %sign3A_665 : i1 to i32
        %sign3A_667 = arith.subi %sign3A_663, %sign3A_666 : i32
        %sign3A_668 = arith.constant 0 : i32
        %sign3A_669 = arith.cmpi sgt, %jit3A_659, %sign3A_668 : i32
        %sign3A_670 = arith.extui %sign3A_669 : i1 to i32
        %sign3A_671 = arith.constant 0 : i32
        %sign3A_672 = arith.cmpi slt, %jit3A_659, %sign3A_671 : i32
        %sign3A_673 = arith.extui %sign3A_672 : i1 to i32
        %sign3A_674 = arith.subi %sign3A_670, %sign3A_673 : i32
        %ne3A_675 = arith.cmpi ne, %sign3A_667, %sign3A_674 : i32
        %rem3A_676 = arith.remsi %add3A_518, %jit3A_659 : i32
        %ne3A_677 = arith.constant 0 : i32
        %ne3A_678 = arith.cmpi ne, %rem3A_676, %ne3A_677 : i32
        %and3A_679 = arith.andi %ne3A_675, %ne3A_678 : i1
        %sub3A_680 = arith.constant 1 : i32
        %sub3A_681 = arith.subi %div3A_660, %sub3A_680 : i32
        %select_n3A_682 = arith.select %and3A_679, %sub3A_681, %div3A_660 : i32
        %jit3A_683 = arith.constant 2 : i32
        %eq3A_684 = arith.constant 0 : i32
        %eq3A_685 = arith.cmpi eq, %jit3A_683, %eq3A_684 : i32
        %jit3A_686 = arith.constant 1 : i32
        %select_n3A_687 = arith.select %eq3A_685, %jit3A_686, %jit3A_683 : i32
        %rem3A_688 = arith.remsi %select_n3A_682, %select_n3A_687 : i32
        %ne3A_689 = arith.constant 0 : i32
        %ne3A_690 = arith.cmpi ne, %rem3A_688, %ne3A_689 : i32
        %lt3A_691 = arith.constant 0 : i32
        %lt3A_692 = arith.cmpi slt, %rem3A_688, %lt3A_691 : i32
        %lt3A_693 = arith.constant 0 : i32
        %lt3A_694 = arith.cmpi slt, %select_n3A_687, %lt3A_693 : i32
        %ne3A_695 = arith.xori %lt3A_692, %lt3A_694 : i1
        %and3A_696 = arith.andi %ne3A_695, %ne3A_690 : i1
        %add3A_697 = arith.addi %rem3A_688, %select_n3A_687 : i32
        %select_n3A_698 = arith.select %and3A_696, %add3A_697, %rem3A_688 : i32
        %jit3A_699 = arith.constant 16 : i32
        %eq3A_700 = arith.constant 0 : i32
        %eq3A_701 = arith.cmpi eq, %jit3A_699, %eq3A_700 : i32
        %jit3A_702 = arith.constant 1 : i32
        %select_n3A_703 = arith.select %eq3A_701, %jit3A_702, %jit3A_699 : i32
        %rem3A_704 = arith.remsi %add3A_518, %select_n3A_703 : i32
        %ne3A_705 = arith.constant 0 : i32
        %ne3A_706 = arith.cmpi ne, %rem3A_704, %ne3A_705 : i32
        %lt3A_707 = arith.constant 0 : i32
        %lt3A_708 = arith.cmpi slt, %rem3A_704, %lt3A_707 : i32
        %lt3A_709 = arith.constant 0 : i32
        %lt3A_710 = arith.cmpi slt, %select_n3A_703, %lt3A_709 : i32
        %ne3A_711 = arith.xori %lt3A_708, %lt3A_710 : i1
        %and3A_712 = arith.andi %ne3A_711, %ne3A_706 : i1
        %add3A_713 = arith.addi %rem3A_704, %select_n3A_703 : i32
        %select_n3A_714 = arith.select %and3A_712, %add3A_713, %rem3A_704 : i32
        %dma_start3A_715 = arith.constant 2 : i32
        %dma_start3A_716 = arith.constant 0 : i32
        %dma_start3A_717 = arith.constant 0 : i32
        %dma_start3A_718 = tpu.memref_slice %arg7[%dma_start3A_715, %dma_start3A_716, %dma_start3A_717] : memref<4x64x128xf32, #tpu.memory_space<vmem>> -> memref<1x64x128xf32, #tpu.memory_space<vmem>>
        %dma_start3A_719 = tpu.memref_squeeze %dma_start3A_718 : memref<1x64x128xf32, #tpu.memory_space<vmem>> -> memref<64x128xf32, #tpu.memory_space<vmem>>
        %dma_start3A_720 = arith.constant 0 : i32
        %dma_start3A_721 = tpu.memref_slice %arg5[%select_n3A_698, %select_n3A_714, %dma_start3A_720] : memref<2x16x64xi32, #tpu.memory_space<vmem>> -> memref<1x1x64xi32, #tpu.memory_space<vmem>>
        %dma_start3A_722 = tpu.memref_squeeze %dma_start3A_721 : memref<1x1x64xi32, #tpu.memory_space<vmem>> -> memref<64xi32, #tpu.memory_space<vmem>>
        %dma_start3A_723 = arith.constant 0 : i32
        %dma_start3A_724 = arith.constant 0 : i32
        %dma_start3A_725 = tpu.memref_slice %arg3[%dma_start3A_723, %dma_start3A_724] : memref<10000x128xf32, #tpu.memory_space<hbm>> -> memref<10000x128xf32, #tpu.memory_space<hbm>>
        tpu.enqueue_indirect_dma source(%dma_start3A_725 : memref<10000x128xf32, #tpu.memory_space<hbm>>) target(%dma_start3A_719 : memref<64x128xf32, #tpu.memory_space<vmem>>) offsets(%dma_start3A_722 : memref<64xi32, #tpu.memory_space<vmem>>) semaphore(%arg12 : memref<!tpu.dma_semaphore, #tpu.memory_space<semaphore_mem>>)
      } else {
      }
      %mul3A_524 = arith.constant 4 : i32
      %mul3A_525 = arith.muli %add3A_81, %mul3A_524 : i32
      %add3A_526 = arith.constant 3 : i32
      %add3A_527 = arith.addi %mul3A_525, %add3A_526 : i32
      %jit3A_528 = arith.constant 16 : i32
      %div3A_529 = arith.divsi %add3A_527, %jit3A_528 : i32
      %sign3A_530 = arith.constant 0 : i32
      %sign3A_531 = arith.cmpi sgt, %add3A_527, %sign3A_530 : i32
      %sign3A_532 = arith.extui %sign3A_531 : i1 to i32
      %sign3A_533 = arith.constant 0 : i32
      %sign3A_534 = arith.cmpi slt, %add3A_527, %sign3A_533 : i32
      %sign3A_535 = arith.extui %sign3A_534 : i1 to i32
      %sign3A_536 = arith.subi %sign3A_532, %sign3A_535 : i32
      %sign3A_537 = arith.constant 0 : i32
      %sign3A_538 = arith.cmpi sgt, %jit3A_528, %sign3A_537 : i32
      %sign3A_539 = arith.extui %sign3A_538 : i1 to i32
      %sign3A_540 = arith.constant 0 : i32
      %sign3A_541 = arith.cmpi slt, %jit3A_528, %sign3A_540 : i32
      %sign3A_542 = arith.extui %sign3A_541 : i1 to i32
      %sign3A_543 = arith.subi %sign3A_539, %sign3A_542 : i32
      %ne3A_544 = arith.cmpi ne, %sign3A_536, %sign3A_543 : i32
      %rem3A_545 = arith.remsi %add3A_527, %jit3A_528 : i32
      %ne3A_546 = arith.constant 0 : i32
      %ne3A_547 = arith.cmpi ne, %rem3A_545, %ne3A_546 : i32
      %and3A_548 = arith.andi %ne3A_544, %ne3A_547 : i1
      %sub3A_549 = arith.constant 1 : i32
      %sub3A_550 = arith.subi %div3A_529, %sub3A_549 : i32
      %select_n3A_551 = arith.select %and3A_548, %sub3A_550, %div3A_529 : i32
      %jit3A_552 = arith.constant 2 : i32
      %eq3A_553 = arith.constant 0 : i32
      %eq3A_554 = arith.cmpi eq, %jit3A_552, %eq3A_553 : i32
      %jit3A_555 = arith.constant 1 : i32
      %select_n3A_556 = arith.select %eq3A_554, %jit3A_555, %jit3A_552 : i32
      %rem3A_557 = arith.remsi %select_n3A_551, %select_n3A_556 : i32
      %ne3A_558 = arith.constant 0 : i32
      %ne3A_559 = arith.cmpi ne, %rem3A_557, %ne3A_558 : i32
      %lt3A_560 = arith.constant 0 : i32
      %lt3A_561 = arith.cmpi slt, %rem3A_557, %lt3A_560 : i32
      %lt3A_562 = arith.constant 0 : i32
      %lt3A_563 = arith.cmpi slt, %select_n3A_556, %lt3A_562 : i32
      %ne3A_564 = arith.xori %lt3A_561, %lt3A_563 : i1
      %and3A_565 = arith.andi %ne3A_564, %ne3A_559 : i1
      %add3A_566 = arith.addi %rem3A_557, %select_n3A_556 : i32
      %select_n3A_567 = arith.select %and3A_565, %add3A_566, %rem3A_557 : i32
      %jit3A_568 = arith.constant 16 : i32
      %eq3A_569 = arith.constant 0 : i32
      %eq3A_570 = arith.cmpi eq, %jit3A_568, %eq3A_569 : i32
      %jit3A_571 = arith.constant 1 : i32
      %select_n3A_572 = arith.select %eq3A_570, %jit3A_571, %jit3A_568 : i32
      %rem3A_573 = arith.remsi %add3A_527, %select_n3A_572 : i32
      %ne3A_574 = arith.constant 0 : i32
      %ne3A_575 = arith.cmpi ne, %rem3A_573, %ne3A_574 : i32
      %lt3A_576 = arith.constant 0 : i32
      %lt3A_577 = arith.cmpi slt, %rem3A_573, %lt3A_576 : i32
      %lt3A_578 = arith.constant 0 : i32
      %lt3A_579 = arith.cmpi slt, %select_n3A_572, %lt3A_578 : i32
      %ne3A_580 = arith.xori %lt3A_577, %lt3A_579 : i1
      %and3A_581 = arith.andi %ne3A_580, %ne3A_575 : i1
      %add3A_582 = arith.addi %rem3A_573, %select_n3A_572 : i32
      %select_n3A_583 = arith.select %and3A_581, %add3A_582, %rem3A_573 : i32
      %dma_wait3A_584 = arith.constant 3 : i32
      %dma_wait3A_585 = arith.constant 0 : i32
      %dma_wait3A_586 = arith.constant 0 : i32
      %dma_wait3A_587 = tpu.memref_slice %arg7[%dma_wait3A_584, %dma_wait3A_585, %dma_wait3A_586] : memref<4x64x128xf32, #tpu.memory_space<vmem>> -> memref<1x64x128xf32, #tpu.memory_space<vmem>>
      %dma_wait3A_588 = tpu.memref_squeeze %dma_wait3A_587 : memref<1x64x128xf32, #tpu.memory_space<vmem>> -> memref<64x128xf32, #tpu.memory_space<vmem>>
      %dma_wait3A_589 = arith.constant 0 : i32
      %dma_wait3A_590 = tpu.memref_slice %arg5[%select_n3A_567, %select_n3A_583, %dma_wait3A_589] : memref<2x16x64xi32, #tpu.memory_space<vmem>> -> memref<1x1x64xi32, #tpu.memory_space<vmem>>
      %dma_wait3A_591 = tpu.memref_squeeze %dma_wait3A_590 : memref<1x1x64xi32, #tpu.memory_space<vmem>> -> memref<64xi32, #tpu.memory_space<vmem>>
      %dma_wait3A_592 = arith.constant 0 : i32
      %dma_wait3A_593 = arith.constant 0 : i32
      %dma_wait3A_594 = tpu.memref_slice %arg3[%dma_wait3A_592, %dma_wait3A_593] : memref<10000x128xf32, #tpu.memory_space<hbm>> -> memref<10000x128xf32, #tpu.memory_space<hbm>>
      tpu.wait_indirect_dma semaphore(%arg13 : memref<!tpu.dma_semaphore, #tpu.memory_space<semaphore_mem>>) src(%dma_wait3A_594 : memref<10000x128xf32, #tpu.memory_space<hbm>>) dst(%dma_wait3A_588 : memref<64x128xf32, #tpu.memory_space<vmem>>)
      %jit3A_595 = arith.constant 16 : i32
      %div3A_596 = arith.divsi %add3A_527, %jit3A_595 : i32
      %sign3A_597 = arith.constant 0 : i32
      %sign3A_598 = arith.cmpi sgt, %add3A_527, %sign3A_597 : i32
      %sign3A_599 = arith.extui %sign3A_598 : i1 to i32
      %sign3A_600 = arith.constant 0 : i32
      %sign3A_601 = arith.cmpi slt, %add3A_527, %sign3A_600 : i32
      %sign3A_602 = arith.extui %sign3A_601 : i1 to i32
      %sign3A_603 = arith.subi %sign3A_599, %sign3A_602 : i32
      %sign3A_604 = arith.constant 0 : i32
      %sign3A_605 = arith.cmpi sgt, %jit3A_595, %sign3A_604 : i32
      %sign3A_606 = arith.extui %sign3A_605 : i1 to i32
      %sign3A_607 = arith.constant 0 : i32
      %sign3A_608 = arith.cmpi slt, %jit3A_595, %sign3A_607 : i32
      %sign3A_609 = arith.extui %sign3A_608 : i1 to i32
      %sign3A_610 = arith.subi %sign3A_606, %sign3A_609 : i32
      %ne3A_611 = arith.cmpi ne, %sign3A_603, %sign3A_610 : i32
      %rem3A_612 = arith.remsi %add3A_527, %jit3A_595 : i32
      %ne3A_613 = arith.constant 0 : i32
      %ne3A_614 = arith.cmpi ne, %rem3A_612, %ne3A_613 : i32
      %and3A_615 = arith.andi %ne3A_611, %ne3A_614 : i1
      %sub3A_616 = arith.constant 1 : i32
      %sub3A_617 = arith.subi %div3A_596, %sub3A_616 : i32
      %select_n3A_618 = arith.select %and3A_615, %sub3A_617, %div3A_596 : i32
      %jit3A_619 = arith.constant 2 : i32
      %eq3A_620 = arith.constant 0 : i32
      %eq3A_621 = arith.cmpi eq, %jit3A_619, %eq3A_620 : i32
      %jit3A_622 = arith.constant 1 : i32
      %select_n3A_623 = arith.select %eq3A_621, %jit3A_622, %jit3A_619 : i32
      %rem3A_624 = arith.remsi %select_n3A_618, %select_n3A_623 : i32
      %ne3A_625 = arith.constant 0 : i32
      %ne3A_626 = arith.cmpi ne, %rem3A_624, %ne3A_625 : i32
      %lt3A_627 = arith.constant 0 : i32
      %lt3A_628 = arith.cmpi slt, %rem3A_624, %lt3A_627 : i32
      %lt3A_629 = arith.constant 0 : i32
      %lt3A_630 = arith.cmpi slt, %select_n3A_623, %lt3A_629 : i32
      %ne3A_631 = arith.xori %lt3A_628, %lt3A_630 : i1
      %and3A_632 = arith.andi %ne3A_631, %ne3A_626 : i1
      %add3A_633 = arith.addi %rem3A_624, %select_n3A_623 : i32
      %select_n3A_634 = arith.select %and3A_632, %add3A_633, %rem3A_624 : i32
      %jit3A_635 = arith.constant 16 : i32
      %eq3A_636 = arith.constant 0 : i32
      %eq3A_637 = arith.cmpi eq, %jit3A_635, %eq3A_636 : i32
      %jit3A_638 = arith.constant 1 : i32
      %select_n3A_639 = arith.select %eq3A_637, %jit3A_638, %jit3A_635 : i32
      %rem3A_640 = arith.remsi %add3A_527, %select_n3A_639 : i32
      %ne3A_641 = arith.constant 0 : i32
      %ne3A_642 = arith.cmpi ne, %rem3A_640, %ne3A_641 : i32
      %lt3A_643 = arith.constant 0 : i32
      %lt3A_644 = arith.cmpi slt, %rem3A_640, %lt3A_643 : i32
      %lt3A_645 = arith.constant 0 : i32
      %lt3A_646 = arith.cmpi slt, %select_n3A_639, %lt3A_645 : i32
      %ne3A_647 = arith.xori %lt3A_644, %lt3A_646 : i1
      %and3A_648 = arith.andi %ne3A_647, %ne3A_642 : i1
      %add3A_649 = arith.addi %rem3A_640, %select_n3A_639 : i32
      %select_n3A_650 = arith.select %and3A_648, %add3A_649, %rem3A_640 : i32
      %run_scoped3A_651 = arith.constant 3 : i32
      "tpu.region"() ({
        %run_scoped3A_659 = tpu.sem_alloc : memref<!tpu.dma_semaphore, #tpu.memory_space<semaphore_mem>>
        %dma_start3A_660 = arith.constant 0 : i32
        %dma_start3A_661 = arith.constant 0 : i32
        %dma_start3A_662 = tpu.memref_slice %arg7[%run_scoped3A_651, %dma_start3A_660, %dma_start3A_661] : memref<4x64x128xf32, #tpu.memory_space<vmem>> -> memref<1x64x128xf32, #tpu.memory_space<vmem>>
        %dma_start3A_663 = tpu.memref_squeeze %dma_start3A_662 : memref<1x64x128xf32, #tpu.memory_space<vmem>> -> memref<64x128xf32, #tpu.memory_space<vmem>>
        %dma_start3A_664 = arith.constant 0 : i32
        %dma_start3A_665 = tpu.memref_slice %arg6[%select_n3A_634, %select_n3A_650, %dma_start3A_664] : memref<2x16x64xi32, #tpu.memory_space<vmem>> -> memref<1x1x64xi32, #tpu.memory_space<vmem>>
        %dma_start3A_666 = tpu.memref_squeeze %dma_start3A_665 : memref<1x1x64xi32, #tpu.memory_space<vmem>> -> memref<64xi32, #tpu.memory_space<vmem>>
        %dma_start3A_667 = arith.constant 0 : i32
        %dma_start3A_668 = arith.constant 0 : i32
        %dma_start3A_669 = tpu.memref_slice %arg9[%dma_start3A_667, %dma_start3A_668] : memref<10240x128xf32, #tpu.memory_space<vmem_shared>> -> memref<10240x128xf32, #tpu.memory_space<vmem_shared>>
        tpu.enqueue_indirect_dma source(%dma_start3A_663 : memref<64x128xf32, #tpu.memory_space<vmem>>) target(%dma_start3A_669 : memref<10240x128xf32, #tpu.memory_space<vmem_shared>>) offsets(%dma_start3A_666 : memref<64xi32, #tpu.memory_space<vmem>>) semaphore(%run_scoped3A_659 : memref<!tpu.dma_semaphore, #tpu.memory_space<semaphore_mem>>) {add = true}
        %dma_wait3A_670 = arith.constant 0 : i32
        %dma_wait3A_671 = arith.constant 0 : i32
        %dma_wait3A_672 = tpu.memref_slice %arg7[%run_scoped3A_651, %dma_wait3A_670, %dma_wait3A_671] : memref<4x64x128xf32, #tpu.memory_space<vmem>> -> memref<1x64x128xf32, #tpu.memory_space<vmem>>
        %dma_wait3A_673 = tpu.memref_squeeze %dma_wait3A_672 : memref<1x64x128xf32, #tpu.memory_space<vmem>> -> memref<64x128xf32, #tpu.memory_space<vmem>>
        %dma_wait3A_674 = arith.constant 0 : i32
        %dma_wait3A_675 = tpu.memref_slice %arg6[%select_n3A_634, %select_n3A_650, %dma_wait3A_674] : memref<2x16x64xi32, #tpu.memory_space<vmem>> -> memref<1x1x64xi32, #tpu.memory_space<vmem>>
        %dma_wait3A_676 = tpu.memref_squeeze %dma_wait3A_675 : memref<1x1x64xi32, #tpu.memory_space<vmem>> -> memref<64xi32, #tpu.memory_space<vmem>>
        %dma_wait3A_677 = arith.constant 0 : i32
        %dma_wait3A_678 = arith.constant 0 : i32
        %dma_wait3A_679 = tpu.memref_slice %arg9[%dma_wait3A_677, %dma_wait3A_678] : memref<10240x128xf32, #tpu.memory_space<vmem_shared>> -> memref<10240x128xf32, #tpu.memory_space<vmem_shared>>
        tpu.wait_indirect_dma semaphore(%run_scoped3A_659 : memref<!tpu.dma_semaphore, #tpu.memory_space<semaphore_mem>>) src(%dma_wait3A_673 : memref<64x128xf32, #tpu.memory_space<vmem>>) dst(%dma_wait3A_679 : memref<10240x128xf32, #tpu.memory_space<vmem_shared>>)
        tpu.yield
      }) : () -> ()
      %add3A_652 = arith.constant 4 : i32
      %add3A_653 = arith.addi %add3A_527, %add3A_652 : i32
      %lt3A_654 = arith.constant 160 : i32
      %lt3A_655 = arith.cmpi slt, %add3A_653, %lt3A_654 : i32
      %convert_element_type3A_656 = arith.extui %lt3A_655 : i1 to i32
      %cond3A_657 = arith.constant 0 : i32
      %cond3A_658 = arith.cmpi ne, %convert_element_type3A_656, %cond3A_657 : i32
      scf.if %cond3A_658 {
        %jit3A_659 = arith.constant 16 : i32
        %div3A_660 = arith.divsi %add3A_653, %jit3A_659 : i32
        %sign3A_661 = arith.constant 0 : i32
        %sign3A_662 = arith.cmpi sgt, %add3A_653, %sign3A_661 : i32
        %sign3A_663 = arith.extui %sign3A_662 : i1 to i32
        %sign3A_664 = arith.constant 0 : i32
        %sign3A_665 = arith.cmpi slt, %add3A_653, %sign3A_664 : i32
        %sign3A_666 = arith.extui %sign3A_665 : i1 to i32
        %sign3A_667 = arith.subi %sign3A_663, %sign3A_666 : i32
        %sign3A_668 = arith.constant 0 : i32
        %sign3A_669 = arith.cmpi sgt, %jit3A_659, %sign3A_668 : i32
        %sign3A_670 = arith.extui %sign3A_669 : i1 to i32
        %sign3A_671 = arith.constant 0 : i32
        %sign3A_672 = arith.cmpi slt, %jit3A_659, %sign3A_671 : i32
        %sign3A_673 = arith.extui %sign3A_672 : i1 to i32
        %sign3A_674 = arith.subi %sign3A_670, %sign3A_673 : i32
        %ne3A_675 = arith.cmpi ne, %sign3A_667, %sign3A_674 : i32
        %rem3A_676 = arith.remsi %add3A_653, %jit3A_659 : i32
        %ne3A_677 = arith.constant 0 : i32
        %ne3A_678 = arith.cmpi ne, %rem3A_676, %ne3A_677 : i32
        %and3A_679 = arith.andi %ne3A_675, %ne3A_678 : i1
        %sub3A_680 = arith.constant 1 : i32
        %sub3A_681 = arith.subi %div3A_660, %sub3A_680 : i32
        %select_n3A_682 = arith.select %and3A_679, %sub3A_681, %div3A_660 : i32
        %jit3A_683 = arith.constant 2 : i32
        %eq3A_684 = arith.constant 0 : i32
        %eq3A_685 = arith.cmpi eq, %jit3A_683, %eq3A_684 : i32
        %jit3A_686 = arith.constant 1 : i32
        %select_n3A_687 = arith.select %eq3A_685, %jit3A_686, %jit3A_683 : i32
        %rem3A_688 = arith.remsi %select_n3A_682, %select_n3A_687 : i32
        %ne3A_689 = arith.constant 0 : i32
        %ne3A_690 = arith.cmpi ne, %rem3A_688, %ne3A_689 : i32
        %lt3A_691 = arith.constant 0 : i32
        %lt3A_692 = arith.cmpi slt, %rem3A_688, %lt3A_691 : i32
        %lt3A_693 = arith.constant 0 : i32
        %lt3A_694 = arith.cmpi slt, %select_n3A_687, %lt3A_693 : i32
        %ne3A_695 = arith.xori %lt3A_692, %lt3A_694 : i1
        %and3A_696 = arith.andi %ne3A_695, %ne3A_690 : i1
        %add3A_697 = arith.addi %rem3A_688, %select_n3A_687 : i32
        %select_n3A_698 = arith.select %and3A_696, %add3A_697, %rem3A_688 : i32
        %jit3A_699 = arith.constant 16 : i32
        %eq3A_700 = arith.constant 0 : i32
        %eq3A_701 = arith.cmpi eq, %jit3A_699, %eq3A_700 : i32
        %jit3A_702 = arith.constant 1 : i32
        %select_n3A_703 = arith.select %eq3A_701, %jit3A_702, %jit3A_699 : i32
        %rem3A_704 = arith.remsi %add3A_653, %select_n3A_703 : i32
        %ne3A_705 = arith.constant 0 : i32
        %ne3A_706 = arith.cmpi ne, %rem3A_704, %ne3A_705 : i32
        %lt3A_707 = arith.constant 0 : i32
        %lt3A_708 = arith.cmpi slt, %rem3A_704, %lt3A_707 : i32
        %lt3A_709 = arith.constant 0 : i32
        %lt3A_710 = arith.cmpi slt, %select_n3A_703, %lt3A_709 : i32
        %ne3A_711 = arith.xori %lt3A_708, %lt3A_710 : i1
        %and3A_712 = arith.andi %ne3A_711, %ne3A_706 : i1
        %add3A_713 = arith.addi %rem3A_704, %select_n3A_703 : i32
        %select_n3A_714 = arith.select %and3A_712, %add3A_713, %rem3A_704 : i32
        %dma_start3A_715 = arith.constant 3 : i32
        %dma_start3A_716 = arith.constant 0 : i32
        %dma_start3A_717 = arith.constant 0 : i32
        %dma_start3A_718 = tpu.memref_slice %arg7[%dma_start3A_715, %dma_start3A_716, %dma_start3A_717] : memref<4x64x128xf32, #tpu.memory_space<vmem>> -> memref<1x64x128xf32, #tpu.memory_space<vmem>>
        %dma_start3A_719 = tpu.memref_squeeze %dma_start3A_718 : memref<1x64x128xf32, #tpu.memory_space<vmem>> -> memref<64x128xf32, #tpu.memory_space<vmem>>
        %dma_start3A_720 = arith.constant 0 : i32
        %dma_start3A_721 = tpu.memref_slice %arg5[%select_n3A_698, %select_n3A_714, %dma_start3A_720] : memref<2x16x64xi32, #tpu.memory_space<vmem>> -> memref<1x1x64xi32, #tpu.memory_space<vmem>>
        %dma_start3A_722 = tpu.memref_squeeze %dma_start3A_721 : memref<1x1x64xi32, #tpu.memory_space<vmem>> -> memref<64xi32, #tpu.memory_space<vmem>>
        %dma_start3A_723 = arith.constant 0 : i32
        %dma_start3A_724 = arith.constant 0 : i32
        %dma_start3A_725 = tpu.memref_slice %arg3[%dma_start3A_723, %dma_start3A_724] : memref<10000x128xf32, #tpu.memory_space<hbm>> -> memref<10000x128xf32, #tpu.memory_space<hbm>>
        tpu.enqueue_indirect_dma source(%dma_start3A_725 : memref<10000x128xf32, #tpu.memory_space<hbm>>) target(%dma_start3A_719 : memref<64x128xf32, #tpu.memory_space<vmem>>) offsets(%dma_start3A_722 : memref<64xi32, #tpu.memory_space<vmem>>) semaphore(%arg13 : memref<!tpu.dma_semaphore, #tpu.memory_space<semaphore_mem>>)
      } else {
      }
    }
    %scan3A_71 = arith.constant 40 : i32
    %barrier3A_72 = arith.constant 0 : index
    tpu.barrier barrier_id(%barrier3A_72)
    %mul3A_73 = arith.constant 640 : i32
    %mul3A_74 = arith.muli %arg1, %mul3A_73 : i32
    %mul3A_75 = arith.constant 640 : i32
    %mul3A_76 = arith.muli %arg1, %mul3A_75 : i32
    "tpu.region"() ({
      %run_scoped3A_77 = tpu.sem_alloc : memref<!tpu.dma_semaphore, #tpu.memory_space<semaphore_mem>>
      %dma_start3A_78 = arith.constant 0 : i32
      %dma_start3A_79 = tpu.memref_slice %arg4[%arg0, %mul3A_76, %dma_start3A_78] : memref<2x10240x128xf32, #tpu.memory_space<hbm>> -> memref<1x640x128xf32, #tpu.memory_space<hbm>>
      %dma_start3A_80 = tpu.memref_squeeze %dma_start3A_79 : memref<1x640x128xf32, #tpu.memory_space<hbm>> -> memref<640x128xf32, #tpu.memory_space<hbm>>
      %dma_start3A_81 = arith.constant 0 : i32
      %dma_start3A_82 = tpu.memref_slice %arg9[%mul3A_74, %dma_start3A_81] : memref<10240x128xf32, #tpu.memory_space<vmem_shared>> -> memref<640x128xf32, #tpu.memory_space<vmem_shared>>
      tpu.enqueue_dma source(%dma_start3A_82 : memref<640x128xf32, #tpu.memory_space<vmem_shared>>) target(%dma_start3A_80 : memref<640x128xf32, #tpu.memory_space<hbm>>) target_semaphore(%run_scoped3A_77 : memref<!tpu.dma_semaphore, #tpu.memory_space<semaphore_mem>>)
      %dma_wait3A = arith.constant 0 : i32
      %dma_wait3A_83 = tpu.memref_slice %arg4[%arg0, %mul3A_76, %dma_wait3A] : memref<2x10240x128xf32, #tpu.memory_space<hbm>> -> memref<1x640x128xf32, #tpu.memory_space<hbm>>
      %dma_wait3A_84 = tpu.memref_squeeze %dma_wait3A_83 : memref<1x640x128xf32, #tpu.memory_space<hbm>> -> memref<640x128xf32, #tpu.memory_space<hbm>>
      %dma_wait3A_85 = arith.constant 0 : i32
      %dma_wait3A_86 = tpu.memref_slice %arg9[%mul3A_74, %dma_wait3A_85] : memref<10240x128xf32, #tpu.memory_space<vmem_shared>> -> memref<640x128xf32, #tpu.memory_space<vmem_shared>>
      tpu.wait_dma2 semaphore(%run_scoped3A_77 : memref<!tpu.dma_semaphore, #tpu.memory_space<semaphore_mem>>) src(%dma_wait3A_86 : memref<640x128xf32, #tpu.memory_space<vmem_shared>>) dst(%dma_wait3A_84 : memref<640x128xf32, #tpu.memory_space<hbm>>)
      tpu.yield
    }) : () -> ()
    return
  }
}

#map = affine_map<(d0, d1) -> (0, 0, 0, 0)>
#map1 = affine_map<(d0, d1) -> (0, 0)>
module attributes {stable_mosaic.version = 14 : i64} {
  func.func @_deg_body(%arg0: i32, %arg1: i32, %arg2: memref<2x32x80x128xi32, #tpu.memory_space<hbm>>, %arg3: memref<2x10240xf32, #tpu.memory_space<hbm>>, %arg4: memref<80x128xi32, #tpu.memory_space<vmem>>, %arg5: memref<128xf32, #tpu.memory_space<vmem>>, %arg6: memref<640xf32, #tpu.memory_space<vmem>>, %arg7: memref<10240xf32, #tpu.memory_space<vmem_shared>>) attributes {dimension_semantics = [#tpu.dimension_semantics<core_parallel>, #tpu.dimension_semantics<subcore_parallel>], iteration_bounds = array<i64: 2, 16>, scalar_prefetch = 0 : i64, scratch_operands = 4 : i64, tpu.core_type = #tpu.core_type<sc_vector_subcore>, window_params = [{transform_indices = #map}, {transform_indices = #map1}]} {
    %mul3A = arith.constant 2 : i32
    %mul3A_0 = arith.muli %arg1, %mul3A : i32
    %add3A = arith.addi %mul3A_0, %arg0 : i32
    %broadcast_in_dim3A = arith.constant 1.000000e+00 : f32
    %broadcast_in_dim3A_1 = vector.broadcast %broadcast_in_dim3A : f32 to vector<16xf32>
    %broadcast_in_dim3A_2 = arith.constant 0.000000e+00 : f32
    %broadcast_in_dim3A_3 = vector.broadcast %broadcast_in_dim3A_2 : f32 to vector<16xf32>
    %scan3A = arith.constant 0 : i32
    %scan3A_4 = arith.constant 8 : i32
    %scan3A_5 = arith.addi %scan3A, %scan3A_4 : i32
    %scan3A_6 = arith.constant 1 : i32
    scf.for %scan3A_25 = %scan3A to %scan3A_5 step %scan3A_6  : i32 {
      %mul3A_26 = arith.constant 1 : i32
      %mul3A_27 = arith.muli %scan3A_25, %mul3A_26 : i32
      %add3A_28 = arith.constant 0 : i32
      %add3A_29 = arith.addi %add3A_28, %mul3A_27 : i32
      %mul3A_30 = arith.constant 16 : i32
      %mul3A_31 = arith.muli %add3A_29, %mul3A_30 : i32
      %swap3A = arith.index_cast %mul3A_31 : i32 to index
      %swap3A_32 = tpu.vector_load %arg5[%swap3A] {strides = array<i32>} : memref<128xf32, #tpu.memory_space<vmem>>, vector<16xf32>,
      %swap3A_33 = vector.shape_cast %swap3A_32 : vector<16xf32> to vector<16xf32>
      %swap3A_34 = vector.shape_cast %broadcast_in_dim3A_1 : vector<16xf32> to vector<16xf32>
      tpu.vector_store %arg5[%swap3A], %swap3A_34 {strides = array<i32>} : memref<128xf32, #tpu.memory_space<vmem>>, vector<16xf32>,
    }
    %scan3A_7 = arith.constant 8 : i32
    %scan3A_8 = arith.constant 0 : i32
    %scan3A_9 = arith.constant 40 : i32
    %scan3A_10 = arith.addi %scan3A_8, %scan3A_9 : i32
    %scan3A_11 = arith.constant 1 : i32
    scf.for %scan3A_25 = %scan3A_8 to %scan3A_10 step %scan3A_11  : i32 {
      %mul3A_26 = arith.constant 1 : i32
      %mul3A_27 = arith.muli %scan3A_25, %mul3A_26 : i32
      %add3A_28 = arith.constant 0 : i32
      %add3A_29 = arith.addi %add3A_28, %mul3A_27 : i32
      %mul3A_30 = arith.constant 16 : i32
      %mul3A_31 = arith.muli %add3A_29, %mul3A_30 : i32
      %swap3A = arith.index_cast %mul3A_31 : i32 to index
      %swap3A_32 = tpu.vector_load %arg6[%swap3A] {strides = array<i32>} : memref<640xf32, #tpu.memory_space<vmem>>, vector<16xf32>,
      %swap3A_33 = vector.shape_cast %swap3A_32 : vector<16xf32> to vector<16xf32>
      %swap3A_34 = vector.shape_cast %broadcast_in_dim3A_3 : vector<16xf32> to vector<16xf32>
      tpu.vector_store %arg6[%swap3A], %swap3A_34 {strides = array<i32>} : memref<640xf32, #tpu.memory_space<vmem>>, vector<16xf32>,
    }
    %scan3A_12 = arith.constant 40 : i32
    %run_scoped3A = arith.constant 1 : i32
    "tpu.region"() ({
      %run_scoped3A_25 = tpu.sem_alloc : memref<!tpu.dma_semaphore, #tpu.memory_space<semaphore_mem>>
      %dma_start3A = arith.constant 0 : i32
      %dma_start3A_26 = arith.constant 0 : i32
      %dma_start3A_27 = tpu.memref_slice %arg2[%run_scoped3A, %add3A, %dma_start3A, %dma_start3A_26] : memref<2x32x80x128xi32, #tpu.memory_space<hbm>> -> memref<1x1x80x128xi32, #tpu.memory_space<hbm>>
      %dma_start3A_28 = tpu.memref_squeeze %dma_start3A_27 : memref<1x1x80x128xi32, #tpu.memory_space<hbm>> -> memref<80x128xi32, #tpu.memory_space<hbm>>
      %dma_start3A_29 = arith.constant 0 : i32
      %dma_start3A_30 = arith.constant 0 : i32
      %dma_start3A_31 = tpu.memref_slice %arg2[%run_scoped3A, %add3A, %dma_start3A_29, %dma_start3A_30] : memref<2x32x80x128xi32, #tpu.memory_space<hbm>> -> memref<1x1x80x128xi32, #tpu.memory_space<hbm>>
      %dma_start3A_32 = tpu.memref_squeeze %dma_start3A_31 : memref<1x1x80x128xi32, #tpu.memory_space<hbm>> -> memref<80x128xi32, #tpu.memory_space<hbm>>
      tpu.enqueue_dma source(%dma_start3A_32 : memref<80x128xi32, #tpu.memory_space<hbm>>) target(%arg4 : memref<80x128xi32, #tpu.memory_space<vmem>>) target_semaphore(%run_scoped3A_25 : memref<!tpu.dma_semaphore, #tpu.memory_space<semaphore_mem>>)
      %dma_wait3A = arith.constant 0 : i32
      %dma_wait3A_33 = arith.constant 0 : i32
      %dma_wait3A_34 = tpu.memref_slice %arg2[%run_scoped3A, %add3A, %dma_wait3A, %dma_wait3A_33] : memref<2x32x80x128xi32, #tpu.memory_space<hbm>> -> memref<1x1x80x128xi32, #tpu.memory_space<hbm>>
      %dma_wait3A_35 = tpu.memref_squeeze %dma_wait3A_34 : memref<1x1x80x128xi32, #tpu.memory_space<hbm>> -> memref<80x128xi32, #tpu.memory_space<hbm>>
      %dma_wait3A_36 = arith.constant 0 : i32
      %dma_wait3A_37 = arith.constant 0 : i32
      %dma_wait3A_38 = tpu.memref_slice %arg2[%run_scoped3A, %add3A, %dma_wait3A_36, %dma_wait3A_37] : memref<2x32x80x128xi32, #tpu.memory_space<hbm>> -> memref<1x1x80x128xi32, #tpu.memory_space<hbm>>
      %dma_wait3A_39 = tpu.memref_squeeze %dma_wait3A_38 : memref<1x1x80x128xi32, #tpu.memory_space<hbm>> -> memref<80x128xi32, #tpu.memory_space<hbm>>
      tpu.wait_dma2 semaphore(%run_scoped3A_25 : memref<!tpu.dma_semaphore, #tpu.memory_space<semaphore_mem>>) src(%dma_wait3A_39 : memref<80x128xi32, #tpu.memory_space<hbm>>) dst(%arg4 : memref<80x128xi32, #tpu.memory_space<vmem>>)
      tpu.yield
    }) : () -> ()
    %mul3A_13 = arith.constant 640 : i32
    %mul3A_14 = arith.muli %arg1, %mul3A_13 : i32
    "tpu.region"() ({
      %run_scoped3A_25 = tpu.sem_alloc : memref<!tpu.dma_semaphore, #tpu.memory_space<semaphore_mem>>
      %dma_start3A = tpu.memref_slice %arg7[%mul3A_14] : memref<10240xf32, #tpu.memory_space<vmem_shared>> -> memref<640xf32, #tpu.memory_space<vmem_shared>>
      %dma_start3A_26 = tpu.memref_slice %arg7[%mul3A_14] : memref<10240xf32, #tpu.memory_space<vmem_shared>> -> memref<640xf32, #tpu.memory_space<vmem_shared>>
      tpu.enqueue_dma source(%arg6 : memref<640xf32, #tpu.memory_space<vmem>>) target(%dma_start3A_26 : memref<640xf32, #tpu.memory_space<vmem_shared>>) target_semaphore(%run_scoped3A_25 : memref<!tpu.dma_semaphore, #tpu.memory_space<semaphore_mem>>)
      %dma_wait3A = tpu.memref_slice %arg7[%mul3A_14] : memref<10240xf32, #tpu.memory_space<vmem_shared>> -> memref<640xf32, #tpu.memory_space<vmem_shared>>
      %dma_wait3A_27 = tpu.memref_slice %arg7[%mul3A_14] : memref<10240xf32, #tpu.memory_space<vmem_shared>> -> memref<640xf32, #tpu.memory_space<vmem_shared>>
      tpu.wait_dma2 semaphore(%run_scoped3A_25 : memref<!tpu.dma_semaphore, #tpu.memory_space<semaphore_mem>>) src(%arg6 : memref<640xf32, #tpu.memory_space<vmem>>) dst(%dma_wait3A_27 : memref<640xf32, #tpu.memory_space<vmem_shared>>)
      tpu.yield
    }) : () -> ()
    %barrier3A = arith.constant 0 : index
    tpu.barrier barrier_id(%barrier3A)
    %scan3A_15 = arith.constant 0 : i32
    %scan3A_16 = arith.constant 80 : i32
    %scan3A_17 = arith.addi %scan3A_15, %scan3A_16 : i32
    %scan3A_18 = arith.constant 1 : i32
    scf.for %scan3A_25 = %scan3A_15 to %scan3A_17 step %scan3A_18  : i32 {
      %mul3A_26 = arith.constant 1 : i32
      %mul3A_27 = arith.muli %scan3A_25, %mul3A_26 : i32
      %add3A_28 = arith.constant 0 : i32
      %add3A_29 = arith.addi %add3A_28, %mul3A_27 : i32
      "tpu.region"() ({
        %run_scoped3A_30 = tpu.sem_alloc : memref<!tpu.dma_semaphore, #tpu.memory_space<semaphore_mem>>
        %dma_start3A = arith.constant 0 : i32
        %dma_start3A_31 = tpu.memref_slice %arg4[%add3A_29, %dma_start3A] : memref<80x128xi32, #tpu.memory_space<vmem>> -> memref<1x128xi32, #tpu.memory_space<vmem>>
        %dma_start3A_32 = tpu.memref_squeeze %dma_start3A_31 : memref<1x128xi32, #tpu.memory_space<vmem>> -> memref<128xi32, #tpu.memory_space<vmem>>
        %dma_start3A_33 = arith.constant 0 : i32
        %dma_start3A_34 = tpu.memref_slice %arg7[%dma_start3A_33] : memref<10240xf32, #tpu.memory_space<vmem_shared>> -> memref<10240xf32, #tpu.memory_space<vmem_shared>>
        tpu.enqueue_indirect_dma source(%arg5 : memref<128xf32, #tpu.memory_space<vmem>>) target(%dma_start3A_34 : memref<10240xf32, #tpu.memory_space<vmem_shared>>) offsets(%dma_start3A_32 : memref<128xi32, #tpu.memory_space<vmem>>) semaphore(%run_scoped3A_30 : memref<!tpu.dma_semaphore, #tpu.memory_space<semaphore_mem>>) {add = true}
        %dma_wait3A = arith.constant 0 : i32
        %dma_wait3A_35 = tpu.memref_slice %arg4[%add3A_29, %dma_wait3A] : memref<80x128xi32, #tpu.memory_space<vmem>> -> memref<1x128xi32, #tpu.memory_space<vmem>>
        %dma_wait3A_36 = tpu.memref_squeeze %dma_wait3A_35 : memref<1x128xi32, #tpu.memory_space<vmem>> -> memref<128xi32, #tpu.memory_space<vmem>>
        %dma_wait3A_37 = arith.constant 0 : i32
        %dma_wait3A_38 = tpu.memref_slice %arg7[%dma_wait3A_37] : memref<10240xf32, #tpu.memory_space<vmem_shared>> -> memref<10240xf32, #tpu.memory_space<vmem_shared>>
        tpu.wait_indirect_dma semaphore(%run_scoped3A_30 : memref<!tpu.dma_semaphore, #tpu.memory_space<semaphore_mem>>) src(%arg5 : memref<128xf32, #tpu.memory_space<vmem>>) dst(%dma_wait3A_38 : memref<10240xf32, #tpu.memory_space<vmem_shared>>)
        tpu.yield
      }) : () -> ()
    }
    %scan3A_19 = arith.constant 80 : i32
    %barrier3A_20 = arith.constant 0 : index
    tpu.barrier barrier_id(%barrier3A_20)
    %mul3A_21 = arith.constant 640 : i32
    %mul3A_22 = arith.muli %arg1, %mul3A_21 : i32
    %mul3A_23 = arith.constant 640 : i32
    %mul3A_24 = arith.muli %arg1, %mul3A_23 : i32
    "tpu.region"() ({
      %run_scoped3A_25 = tpu.sem_alloc : memref<!tpu.dma_semaphore, #tpu.memory_space<semaphore_mem>>
      %dma_start3A = tpu.memref_slice %arg3[%arg0, %mul3A_24] : memref<2x10240xf32, #tpu.memory_space<hbm>> -> memref<1x640xf32, #tpu.memory_space<hbm>>
      %dma_start3A_26 = tpu.memref_squeeze %dma_start3A : memref<1x640xf32, #tpu.memory_space<hbm>> -> memref<640xf32, #tpu.memory_space<hbm>>
      %dma_start3A_27 = tpu.memref_slice %arg7[%mul3A_22] : memref<10240xf32, #tpu.memory_space<vmem_shared>> -> memref<640xf32, #tpu.memory_space<vmem_shared>>
      tpu.enqueue_dma source(%dma_start3A_27 : memref<640xf32, #tpu.memory_space<vmem_shared>>) target(%dma_start3A_26 : memref<640xf32, #tpu.memory_space<hbm>>) target_semaphore(%run_scoped3A_25 : memref<!tpu.dma_semaphore, #tpu.memory_space<semaphore_mem>>)
      %dma_wait3A = tpu.memref_slice %arg3[%arg0, %mul3A_24] : memref<2x10240xf32, #tpu.memory_space<hbm>> -> memref<1x640xf32, #tpu.memory_space<hbm>>
      %dma_wait3A_28 = tpu.memref_squeeze %dma_wait3A : memref<1x640xf32, #tpu.memory_space<hbm>> -> memref<640xf32, #tpu.memory_space<hbm>>
      %dma_wait3A_29 = tpu.memref_slice %arg7[%mul3A_22] : memref<10240xf32, #tpu.memory_space<vmem_shared>> -> memref<640xf32, #tpu.memory_space<vmem_shared>>
      tpu.wait_dma2 semaphore(%run_scoped3A_25 : memref<!tpu.dma_semaphore, #tpu.memory_space<semaphore_mem>>) src(%dma_wait3A_29 : memref<640xf32, #tpu.memory_space<vmem_shared>>) dst(%dma_wait3A_28 : memref<640xf32, #tpu.memory_space<hbm>>)
      tpu.yield
    }) : () -> ()
    return
  }
}

module attributes {stable_mosaic.version = 14 : i64} {
  func.func @_tc_a_body(%arg0: i32, %arg1: memref<2000x128xf32, #tpu.memory_space<vmem>>, %arg2: memref<128x128xf32, #tpu.memory_space<vmem>>, %arg3: memref<2000x2xf32, #tpu.memory_space<vmem>>, %arg4: memref<2000x128xf32, #tpu.memory_space<vmem>>) attributes {dimension_semantics = [#tpu.dimension_semantics<arbitrary>], iteration_bounds = array<i64: 5>, scalar_prefetch = 0 : i64, scratch_operands = 0 : i64, tpu.core_type = #tpu.core_type<tc>, window_params = [{transform_indices = @transform_0, window_bounds = array<i64: 2000, 128>}, {pipeline_mode = #tpu.pipeline_mode<synchronous>, transform_indices = @transform_1, window_bounds = array<i64: 128, 128>}, {transform_indices = @transform_2, window_bounds = array<i64: 2000, 2>}, {transform_indices = @transform_3, window_bounds = array<i64: 2000, 128>}]} {
    %get3A = arith.constant 0 : index
    %get3A_0 = arith.constant 0 : index
    %get3A_1 = vector.load %arg3[%get3A, %get3A_0] : memref<2000x2xf32, #tpu.memory_space<vmem>>, vector<2000x2xf32>
    %slice3A = vector.extract_strided_slice %get3A_1 {offsets = [0, 0], sizes = [2000, 1], strides = [1, 1]} : vector<2000x2xf32> to vector<2000x1xf32>
    %slice3A_2 = vector.extract_strided_slice %get3A_1 {offsets = [0, 1], sizes = [2000, 1], strides = [1, 1]} : vector<2000x2xf32> to vector<2000x1xf32>
    %add3A = arith.addf %slice3A, %slice3A_2 : vector<2000x1xf32>
    %add3A_3 = arith.constant 1.000000e+00 : f32
    %add3A_4 = vector.broadcast %add3A_3 : f32 to vector<2000x1xf32>
    %add3A_5 = arith.addf %add3A, %add3A_4 : vector<2000x1xf32>
    %rsqrt3A = math.rsqrt %add3A_5 : vector<2000x1xf32>
    %get3A_6 = arith.constant 0 : index
    %get3A_7 = arith.constant 0 : index
    %get3A_8 = vector.load %arg1[%get3A_6, %get3A_7] : memref<2000x128xf32, #tpu.memory_space<vmem>>, vector<2000x128xf32>
    %get3A_9 = arith.constant 0 : index
    %get3A_10 = arith.constant 0 : index
    %get3A_11 = vector.load %arg2[%get3A_9, %get3A_10] : memref<128x128xf32, #tpu.memory_space<vmem>>, vector<128x128xf32>
    %dot_general3A = arith.constant dense<0.000000e+00> : vector<2000x128xf32>
    %dot_general3A_12 = tpu.matmul %get3A_8, %get3A_11, %dot_general3A {dimension_numbers = #tpu.dot_dimension_numbers<[1], [1], [0], [0], [0, 0, 1, 0], [], []>, transpose_lhs_hint = false} : vector<2000x128xf32>, vector<128x128xf32>, vector<2000x128xf32> -> vector<2000x128xf32>
    %mul3A = vector.broadcast %rsqrt3A : vector<2000x1xf32> to vector<2000x128xf32>
    %mul3A_13 = arith.mulf %dot_general3A_12, %mul3A : vector<2000x128xf32>
    %swap3A = arith.constant 0 : index
    %swap3A_14 = arith.constant 0 : index
    %swap3A_15 = vector.load %arg4[%swap3A, %swap3A_14] : memref<2000x128xf32, #tpu.memory_space<vmem>>, vector<2000x128xf32>
    tpu.vector_store %arg4[%swap3A, %swap3A_14], %mul3A_13 {strides = array<i32>} : memref<2000x128xf32, #tpu.memory_space<vmem>>, vector<2000x128xf32>,
    return
  }
  func.func @transform_0(%arg0: i32) -> (i32, i32) {
    %c0_i32 = arith.constant 0 : i32
    %c0_i32_0 = arith.constant 0 : i32
    return %arg0, %c0_i32 : i32, i32
  }
  func.func @transform_1(%arg0: i32) -> (i32, i32) {
    %c0_i32 = arith.constant 0 : i32
    %c0_i32_0 = arith.constant 0 : i32
    %c0_i32_1 = arith.constant 0 : i32
    return %c0_i32, %c0_i32_0 : i32, i32
  }
  func.func @transform_2(%arg0: i32) -> (i32, i32) {
    %c0_i32 = arith.constant 0 : i32
    %c0_i32_0 = arith.constant 0 : i32
    return %arg0, %c0_i32 : i32, i32
  }
  func.func @transform_3(%arg0: i32) -> (i32, i32) {
    %c0_i32 = arith.constant 0 : i32
    %c0_i32_0 = arith.constant 0 : i32
    return %arg0, %c0_i32 : i32, i32
  }
}

module attributes {stable_mosaic.version = 14 : i64} {
  func.func @_tc_b_body(%arg0: i32, %arg1: memref<2x2000x128xf32, #tpu.memory_space<vmem>>, %arg2: memref<2000x128xf32, #tpu.memory_space<vmem>>, %arg3: memref<2000x2xf32, #tpu.memory_space<vmem>>, %arg4: memref<1x128xf32, #tpu.memory_space<vmem>>, %arg5: memref<2000x128xf32, #tpu.memory_space<vmem>>) attributes {dimension_semantics = [#tpu.dimension_semantics<arbitrary>], iteration_bounds = array<i64: 5>, scalar_prefetch = 0 : i64, scratch_operands = 0 : i64, tpu.core_type = #tpu.core_type<tc>, window_params = [{transform_indices = @transform_0, window_bounds = array<i64: 2, 2000, 128>}, {transform_indices = @transform_1, window_bounds = array<i64: 2000, 128>}, {transform_indices = @transform_2, window_bounds = array<i64: 2000, 2>}, {pipeline_mode = #tpu.pipeline_mode<synchronous>, transform_indices = @transform_3, window_bounds = array<i64: 1, 128>}, {transform_indices = @transform_4, window_bounds = array<i64: 2000, 128>}]} {
    %get3A = arith.constant 0 : index
    %get3A_0 = arith.constant 0 : index
    %get3A_1 = vector.load %arg3[%get3A, %get3A_0] : memref<2000x2xf32, #tpu.memory_space<vmem>>, vector<2000x2xf32>
    %slice3A = vector.extract_strided_slice %get3A_1 {offsets = [0, 0], sizes = [2000, 1], strides = [1, 1]} : vector<2000x2xf32> to vector<2000x1xf32>
    %slice3A_2 = vector.extract_strided_slice %get3A_1 {offsets = [0, 1], sizes = [2000, 1], strides = [1, 1]} : vector<2000x2xf32> to vector<2000x1xf32>
    %add3A = arith.addf %slice3A, %slice3A_2 : vector<2000x1xf32>
    %add3A_3 = arith.constant 1.000000e+00 : f32
    %add3A_4 = vector.broadcast %add3A_3 : f32 to vector<2000x1xf32>
    %add3A_5 = arith.addf %add3A, %add3A_4 : vector<2000x1xf32>
    %rsqrt3A = math.rsqrt %add3A_5 : vector<2000x1xf32>
    %get3A_6 = arith.constant 0 : index
    %get3A_7 = arith.constant 0 : index
    %get3A_8 = arith.constant 0 : index
    %get3A_9 = vector.load %arg1[%get3A_6, %get3A_7, %get3A_8] : memref<2x2000x128xf32, #tpu.memory_space<vmem>>, vector<1x2000x128xf32>
    %get3A_10 = vector.shape_cast %get3A_9 : vector<1x2000x128xf32> to vector<2000x128xf32>
    %get3A_11 = arith.constant 1 : index
    %get3A_12 = arith.constant 0 : index
    %get3A_13 = arith.constant 0 : index
    %get3A_14 = vector.load %arg1[%get3A_11, %get3A_12, %get3A_13] : memref<2x2000x128xf32, #tpu.memory_space<vmem>>, vector<1x2000x128xf32>
    %get3A_15 = vector.shape_cast %get3A_14 : vector<1x2000x128xf32> to vector<2000x128xf32>
    %add3A_16 = arith.addf %get3A_10, %get3A_15 : vector<2000x128xf32>
    %get3A_17 = arith.constant 0 : index
    %get3A_18 = arith.constant 0 : index
    %get3A_19 = vector.load %arg2[%get3A_17, %get3A_18] : memref<2000x128xf32, #tpu.memory_space<vmem>>, vector<2000x128xf32>
    %add3A_20 = arith.addf %add3A_16, %get3A_19 : vector<2000x128xf32>
    %mul3A = vector.broadcast %rsqrt3A : vector<2000x1xf32> to vector<2000x128xf32>
    %mul3A_21 = arith.mulf %mul3A, %add3A_20 : vector<2000x128xf32>
    %get3A_22 = arith.constant 0 : index
    %get3A_23 = arith.constant 0 : index
    %get3A_24 = vector.load %arg4[%get3A_22, %get3A_23] : memref<1x128xf32, #tpu.memory_space<vmem>>, vector<1x128xf32>
    %add3A_25 = vector.broadcast %get3A_24 : vector<1x128xf32> to vector<2000x128xf32>
    %add3A_26 = arith.addf %mul3A_21, %add3A_25 : vector<2000x128xf32>
    %swap3A = arith.constant 0 : index
    %swap3A_27 = arith.constant 0 : index
    %swap3A_28 = vector.load %arg5[%swap3A, %swap3A_27] : memref<2000x128xf32, #tpu.memory_space<vmem>>, vector<2000x128xf32>
    tpu.vector_store %arg5[%swap3A, %swap3A_27], %add3A_26 {strides = array<i32>} : memref<2000x128xf32, #tpu.memory_space<vmem>>, vector<2000x128xf32>,
    return
  }
  func.func @transform_0(%arg0: i32) -> (i32, i32, i32) {
    %c0_i32 = arith.constant 0 : i32
    %c0_i32_0 = arith.constant 0 : i32
    %c0_i32_1 = arith.constant 0 : i32
    return %c0_i32, %arg0, %c0_i32_0 : i32, i32, i32
  }
  func.func @transform_1(%arg0: i32) -> (i32, i32) {
    %c0_i32 = arith.constant 0 : i32
    %c0_i32_0 = arith.constant 0 : i32
    return %arg0, %c0_i32 : i32, i32
  }
  func.func @transform_2(%arg0: i32) -> (i32, i32) {
    %c0_i32 = arith.constant 0 : i32
    %c0_i32_0 = arith.constant 0 : i32
    return %arg0, %c0_i32 : i32, i32
  }
  func.func @transform_3(%arg0: i32) -> (i32, i32) {
    %c0_i32 = arith.constant 0 : i32
    %c0_i32_0 = arith.constant 0 : i32
    %c0_i32_1 = arith.constant 0 : i32
    return %c0_i32, %c0_i32_0 : i32, i32
  }
  func.func @transform_4(%arg0: i32) -> (i32, i32) {
    %c0_i32 = arith.constant 0 : i32
    %c0_i32_0 = arith.constant 0 : i32
    return %arg0, %c0_i32 : i32, i32
  }
}

</mosaic_0001>

<sc_bundles>
// kernel: kernel.6.cloned.1.call-start
scs
__scs_entry_jumppad:
0x0: {  	(pc) =	sbr.rel $0x88, $3  }
0x1: {  	(tag) =	ssettag $0x0;
	lr =	simm.s32 $0x1  }
0x2: {  	[smem:$0x3F9D] =	sst lr;
	_ =	strace $0xD0000000  }
0x3: {  	_ = 	snop  }
0x4: {  	_ = 	snop  }
0x5: {  	_ = 	snop  }
0x6: {  	_ = 	snop  }
0x7: {  	_ = 	snop  }
__scs_overlays_trampoline_lowered:
0x8: {  	[smem:$0x3FAC] =	sst s0  }
0x9: {  	[smem:$0x3FAD] =	sst s1  }
0xa: {  	[smem:$0x3FAE] =	sst s2  }
0xb: {  	[smem:$0x3FAF] =	sst s3  }
0xc: {  	[smem:$0x3FB0] =	sst s4  }
0xd: {  	[smem:$0x3FB1] =	sst s5  }
0xe: {  	[smem:$0x3FB2] =	sst s6  }
0xf: {  	[smem:$0x3FB3] =	sst s7  }
0x10: {  	[smem:$0x3FB4] =	sst s8  }
0x11: {  	[smem:$0x3FB5] =	sst s9;
	s0 =	simm.s32 @!p0 $0x0  }
0x12: {  	s1 =	sld [smem:$0x3F9B];
	s0 =	simm.s32 @p0 $0x1  }
0x13: {  	[smem:$0x3FB6] =	sst s0;
	s0 =	simm.s32 @!p1 $0x0  }
0x14: {  	s2 =	sld [smem:$0x3F9A];
	s0 =	simm.s32 @p1 $0x1  }
0x15: {  	[smem:$0x3FB7] =	sst s0;
	s0 =	simm.s32 @!p2 $0x0  }
0x16: {  	s3 =	sld [smem:$0x3FDB];
	s0 =	simm.s32 @p2 $0x1  }
0x17: {  	s4 =	simm.s32 $0x1BF5;
	[smem:$0x3FB9] =	sst s0  }
0x18: {  	s0 =	sld [smem:$0x3F9C];
	_ =	swait.ge [sflag:s4], $0x0  }
0x19: {  	s7 =	sld [smem:$0x3F9D]  }
0x1a: {  	s8 =	sadd.s32 $0xFFFFE003, lr  }
0x1b: {  	s9 =	sadd.s32 $0xFFFFFEF7, lr;
	s5 =	simm.s32 $0xFFFFFFFF;
	p2 =	slt.u32 s8, $0xFFFFF086  }
0x1c: {  	p1 =	slt.u32 s9, $0xF7A;
	s5 =	simm.s32 @!p2 $0x0  }
0x1d: {  	s5 =	simm.s32 @p1 $0x1;
	p0 =	seq.s32 s7, s2  }
0x1e: {  	s7 =	smul.u32 @!p0 $0xF7A, s2;
	p2 =	seq.s32 @!p0 s5, $0x0  }
0x1f: {  	s9 =	smul.u32 $0xF7A, s1;
	s8 =	simm.s32 @!p0 $0x1BF5;
	p2 =	por !p2, p0  }
0x20: {  	[sflag:s8] =	ssyncset.s32 @!p0 $0xFFFFF086;
	s6 =	sadd.s32 @!p0 s3, s7;
	s7 =	simm.s32 @!p0 $0x108  }
0x21: {  	s3 =	sadd.s32 s3, s9;
	s6 =	sadd.s32 @!p0 $0x88, s6;
	s7 =	simm.s32 @p2 $0x1082  }
0x22: {  	[simem:s7], [sflag:s8] =	dma.local @!p0 [hbm:s6], $0xF7A  }
0x23: {  	s9 =	sor.u32 $0xD0000000, s2;
	s6 =	simm.s32 $0x108;
	_ =	swait.ge @!p0 [sflag:s8], $0x0  }
0x24: {  	s3 =	sadd.s32 $0x88, s3;
	s6 =	simm.s32 @!p1 $0x1082;
	[sflag:s4] =	ssyncset.s32 $0xFFFFF086  }
0x25: {  	[simem:s6], [sflag:s4] =	dma.local [hbm:s3], $0xF7A  }
0x26: {  	[smem:$0x3F9D] =	sst s1;
	(tag) =	ssettag s2;
	_ =	strace s9  }
0x27: {  	s1 =	sld [smem:$0x3FAD]  }
0x28: {  	s2 =	sld [smem:$0x3FAE]  }
0x29: {  	s4 =	sld [smem:$0x3FB0]  }
0x2a: {  	p0 =	seq.s32 s5, $0x0;
	s5 =	sld [smem:$0x3FB1]  }
0x2b: {  	s6 =	sld [smem:$0x3FB2]  }
0x2c: {  	s7 =	sld [smem:$0x3FB3]  }
0x2d: {  	s3 =	simm.s32 $0x108;
	s8 =	sld [smem:$0x3FB4]  }
0x2e: {  	s3 =	simm.s32 @!p0 $0x1082;
	s9 =	sld [smem:$0x3FB5]  }
0x2f: {  	lr =	sadd.s32 s0, s3;
	s0 =	sld [smem:$0x3FAC]  }
0x30: {  	s3 =	sld [smem:$0x3FAF]  }
0x31: {  	[smem:$0x3FB8] =	sst s10  }
0x32: {  	s10 =	sld [smem:$0x3FB6];
	_ =	sdelay $0x3  }
0x33: {  	p0 =	seq.s32 s10, $0x1;
	s10 =	sld [smem:$0x3FB8];
	_ =	sdelay $0x3  }
0x34: {  	[smem:$0x3FB8] =	sst s10  }
0x35: {  	s10 =	sld [smem:$0x3FB7];
	_ =	sdelay $0x3  }
0x36: {  	p1 =	seq.s32 s10, $0x1;
	s10 =	sld [smem:$0x3FB8];
	_ =	sdelay $0x3  }
0x37: {  	[smem:$0x3FB8] =	sst s10  }
0x38: {  	s10 =	sld [smem:$0x3FB9]  }
0x39: {  	_ = 	snop;
	(pc) =	sbr.ind lr, $3  }
0x3a: {  	_ = 	snop  }
0x3b: {  	_ = 	snop  }
0x3c: {  	p2 =	seq.s32 s10, $0x1;
	s10 =	sld [smem:$0x3FB8]  }
0x3d: {  	_ =	shalt  }
0x3e: {  	_ =	shalt  }
0x3f: {  	_ =	shalt  }
0x40: {  	_ =	shalt  }
0x41: {  	_ =	shalt  }
0x42: {  	_ =	shalt  }
0x43: {  	_ =	shalt  }
0x44: {  	_ =	shalt  }
0x45: {  	_ =	shalt  }
0x46: {  	_ =	shalt  }
0x47: {  	_ =	shalt  }
0x48: {  	_ =	shalt  }
0x49: {  	_ =	shalt  }
0x4a: {  	_ =	shalt  }
0x4b: {  	_ =	shalt  }
0x4c: {  	_ =	shalt  }
0x4d: {  	_ =	shalt  }
0x4e: {  	_ =	shalt  }
0x4f: {  	_ =	shalt  }
0x50: {  	_ =	shalt  }
0x51: {  	_ =	shalt  }
0x52: {  	_ =	shalt  }
0x53: {  	_ =	shalt  }
0x54: {  	_ =	shalt  }
0x55: {  	_ =	shalt  }
0x56: {  	_ =	shalt  }
0x57: {  	_ =	shalt  }
0x58: {  	_ =	shalt  }
0x59: {  	_ =	shalt  }
0x5a: {  	_ =	shalt  }
0x5b: {  	_ =	shalt  }
0x5c: {  	_ =	shalt  }
0x5d: {  	_ =	shalt  }
0x5e: {  	_ =	shalt  }
0x5f: {  	_ =	shalt  }
0x60: {  	_ =	shalt  }
0x61: {  	_ =	shalt  }
0x62: {  	_ =	shalt  }
0x63: {  	_ =	shalt  }
0x64: {  	_ =	shalt  }
0x65: {  	_ =	shalt  }
0x66: {  	_ =	shalt  }
0x67: {  	_ =	shalt  }
0x68: {  	_ =	shalt  }
0x69: {  	_ =	shalt  }
0x6a: {  	_ =	shalt  }
0x6b: {  	_ =	shalt  }
0x6c: {  	_ =	shalt  }
0x6d: {  	_ =	shalt  }
0x6e: {  	_ =	shalt  }
0x6f: {  	_ =	shalt  }
0x70: {  	_ =	shalt  }
0x71: {  	_ =	shalt  }
0x72: {  	_ =	shalt  }
0x73: {  	_ =	shalt  }
0x74: {  	_ =	shalt  }
0x75: {  	_ =	shalt  }
0x76: {  	_ =	shalt  }
0x77: {  	_ =	shalt  }
0x78: {  	_ =	shalt  }
0x79: {  	_ =	shalt  }
0x7a: {  	_ =	shalt  }
0x7b: {  	_ =	shalt  }
0x7c: {  	_ =	shalt  }
0x7d: {  	_ =	shalt  }
0x7e: {  	_ =	shalt  }
0x7f: {  	_ =	shalt  }
0x80: {  	_ =	shalt  }
0x81: {  	_ =	shalt  }
0x82: {  	_ =	shalt  }
0x83: {  	_ =	shalt  }
0x84: {  	_ =	shalt  }
0x85: {  	_ =	shalt  }
0x86: {  	_ =	shalt  }
0x87: {  	_ =	shalt  }
.Lfunc_end0:
.L_simem_size_0:
called_computation_lowered:
.L_overlay_start_0:
0x88: {  	s2 =	sld [smem:$0x3FD9]  }
0x89: {  	s3 =	sld [smem:$0x3FFE];
	_ =	sdelay $0x1  }
0x8a: {  	s1 =	srdreg.scid  }
0x8b: {  	s0 =	sand.u32 $0x1, s1  }
0x8c: {  	s17 =	sshll.u32 s0, $0xA;
	s2 =	sadd.s32 s3, s2  }
0x8d: {  	s2 =	sadd.s32 s2, s17  }
0x8e: {  	[smem:$0x3FC4] =	sst s2  }
0x8f: {  	_ = 	snop  }
0x90: {  	s2 =	sld [smem:$0x3FD0];
	(tm) =	ssettm $0x1  }
0x91: {  	s18 =	sld [smem:$0x3FFB];
	_ =	sdelay $0x3  }
0x92: {  	_ =	strace s18  }
0x93: {  	s3 =	sld [smem:$0x3FFC];
	_ =	sdelay $0x3  }
0x94: {  	_ =	strace s3  }
0x95: {  	s3 =	sld [smem:$0x3FFD];
	_ =	sdelay $0x3  }
0x96: {  	_ =	strace s3  }
0x97: {  	_ =	strace $0x8FFFFFFF  }
0x98: {  	s19 =	sld [smem:$0x3FDB];
	_ =	sdelay $0x1  }
0x99: {  	s4 =	simm.s32 $_scs_section_size  }
0x9a: {  	s5 =	simm.s32 $_size__tile_overlayer_lowered;
	s6 =	simm.s32 $_tile_overlayer_lowered  }
0x9b: {  	s22 =	simm.s32 $0x1BFF;
	s21 =	sshll.u32 s6, $0x1;
	s3 =	sadd.s32 s4, s19  }
0x9c: {  	s7 =	simm.s32 $0x0;
	s20 =	sshll.u32 s5, $0x1;
	s5 =	sadd.s32 s21, s3  }
0x9d: {  	[timem:s7], [sflag:s22] =	dma.local [hbm:s5], s20  }
0x9e: {  	_ =	swait.ge [sflag:s22], s20  }
0x9f: {  	s4 =	ssub.s32 $0x0, s20;
	[sflag:s22] =	ssyncset.done $0x0  }
0xa0: {  	[sflag:s22] =	ssyncadd.s32 s4;
	_ =	sdelay $0x1  }
0xa1: {  	s23 =	simm.s32 $0x1B8B  }
0xa2: {  	_ =	swait.ge [sflag:s23], $0x1  }
0xa3: {  	[sflag:s23] =	ssyncset.done $0x0  }
0xa4: {  	s25 =	simm.s32 $0x1B8E;
	s24 =	sld [smem:$0x3FFE];
	[sflag:s23] =	ssyncadd.s32 $0xFFFFFFFF  }
0xa5: {  	s26 =	simm.s32 $execute0_lowered;
	[smem:$0x3FD2] =	sst s25  }
0xa6: {  	s5 =	sshll.u32 s26, $0x1;
	_ =	strace $0x80000046;
	[dreg:$0x1] =	wrdreg $0xFFFFFFFF  }
0xa7: {  	s28 =	simm.s32 $_size_execute0_lowered;
	s3 =	sadd.s32 s3, s5;
	[dreg:$0x0] =	wrdreg $0x0  }
0xa8: {  	s5 =	sshll.u32 s28, $0x1;
	[dreg:$0x2] =	wrdreg s3  }
0xa9: {  	[dreg:$0x3] =	wrdreg s5  }
0xaa: {  	[dreg:$0x4] =	wrdreg $0xC0  }
0xab: {  	_ =	task [dreg:s7], $0x5FFFF  }
0xac: {  	[dreg:$0x1] =	wrdreg $0xFFFFFFFF  }
0xad: {  	[dreg:$0x0] =	wrdreg $0x60  }
0xae: {  	[dreg:$0x2] =	wrdreg s2  }
0xaf: {  	[dreg:$0x3] =	wrdreg s24  }
0xb0: {  	[dreg:$0x4] =	wrdreg $0x2B000  }
0xb1: {  	[dreg:$0x5] =	wrdreg $0x9  }
0xb2: {  	_ =	task.clear_ibuf [dreg:s7], $0x6FFFF;
	_ =	strace $0x90000046  }
0xb3: {  	s29 =	simm.s32 $0x9;
	_ =	strace $0x80000048  }
0xb4: {  	_ =	swait.ge [sflag:s29], $0x1  }
0xb5: {  	[sflag:s29] =	ssyncadd.s32 $0xFFFFFFFF  }
0xb6: {  	_ =	strace $0x90000048  }
0xb7: {  	_ =	sfence  }
0xb8: {  	s30 =	sld [smem:$0x0];
	_ =	sdelay $0x2  }
0xb9: {  	s31 =	sshll.u32 s1, $0xD;
	s1 =	sshrl.u32 s1, $0x2  }
0xba: {  	s3 =	sand.u32 $0x4000, s31;
	s1 =	sadd.s32 s1, s30  }
0xbb: {  	s0 =	sor.u32 s3, s0;
	s1 =	sshll.u32 s1, $0x11  }
0xbc: {  	s0 =	sor.u32 s1, s0  }
0xbd: {  	s0 =	sadd.s32 $0x8F2B, s0  }
0xbe: {  	[sflag:s0] =	ssyncadd.remote.s32 $0x1  }
0xbf: {  	_ =	sfence.sel $0xFFFF  }
0xc0: {  	[dreg:$0x0] =	wrdreg $0xFFFFFFFF;
	(pc) =	sbr.abs _section_cstart, $3  }
0xc1: {  	[dreg:$0x1] =	wrdreg $0xFFFFFFFF  }
0xc2: {  	_ =	task.clear_ibuf [dreg:s7], $0x2FFFF;
	_ =	strace $0x9FFFFFFF  }
0xc3: {  	(tm) =	ssettm $0x7FFFFFFF  }
tec
execute0_lowered:
.L_overlay_start_1:
0x0: {  	(tag) =	ssettag $0x1  }
0x1: {  	s4 =	rddreg [dreg:$0x0]  }
0x2: {  	s5 =	rddreg [dreg:$0x1]  }
0x3: {  	s2 =	rddreg [dreg:$0x2]  }
0x4: {  	s0 =	rddreg [dreg:$0x3]  }
0x5: {  	s3 =	srdreg.scid;
	s1 =	stileid.u32  }
0x6: {  	s10 =	simm.s32 $0x80;
	s11 =	simm.s32 $0x2800;
	s14 =	simm.s32 $0x20  }
0x7: {  	s15 =	simm.s32 $0x10;
	s16 =	simm.s32 $0x0;
	s6 =	sand.u32 $0x1, s3  }
0x8: {  	s7 =	smul.u32 $0x500, s1;
	s8 =	sshll.u32 s1, $0x1;
	s3 =	simm.s32 $0x0  }
0x9: {  	s26 =	smul.u32 $0xA00, s1;
	s12 =	sshll.u32 s1, $0x6;
	s9 =	sshll.u32 s6, $0x7  }
0xa: {  	s8 =	sor.u32 s6, s8;
	[smem:$0x7FF] =	sst s3;
	s28 =	ssub.s32 $0x2, s6  }
0xb: {  	s12 =	sor.u32 $0x1C01, s12;
	s7 =	sor.u32 s9, s7;
	s8 =	smul.u32 $0x2800, s8  }
0xc: {  	_ =	strace $0x80000047;
	s30 =	sshrl.u32 s28, $0x1;
	s7 =	sshrl.u32 s7, $0x3  }
0xd: {  	s31 =	sshrl.u32 s26, $0x2;
	s9 =	simm.s32 $0x2880;
	s7 =	sadd.s32 s7, s5  }
0xe: {  	s29 =	sshrl.u32 s8, $0x3;
	s8 =	ssub.s32 s28, s30;
	s5 =	sadd.s32 s31, s2  }
0xf: {  	s4 =	sadd.s32 s4, s29;
	s6 =	sadd.s32 $0x1E00, s7;
	s7 =	smax.u32 s8, $0x1  }
0x10: {  	v0 =	vimm.f32 $1.000000000e+00;
	v1 =	vimm.f32 $0.0e+00;
	s8 =	simm.s32 $0x1;
	s13 =	sshrl.u32 s5, $0x3;
	s4 =	sadd.s32 $0xA000, s4  }
.LBB2_1:
0x11: {  	[tilespmem:$0x2800] =	vst v0  }
0x12: {  	[tilespmem:$0x2810] =	vst v0  }
0x13: {  	[tilespmem:$0x2820] =	vst v0  }
0x14: {  	[tilespmem:$0x2830] =	vst v0  }
0x15: {  	[tilespmem:$0x2840] =	vst v0  }
0x16: {  	[tilespmem:$0x2850] =	vst v0  }
0x17: {  	[tilespmem:$0x2860] =	vst v0  }
0x18: {  	[tilespmem:$0x2870] =	vst v0  }
0x19: {  	[tilespmem:$0x2880] =	vst v1  }
0x1a: {  	[tilespmem:$0x2890] =	vst v1  }
0x1b: {  	[tilespmem:$0x28A0] =	vst v1  }
0x1c: {  	[tilespmem:$0x28B0] =	vst v1  }
0x1d: {  	[tilespmem:$0x28C0] =	vst v1  }
0x1e: {  	[tilespmem:$0x28D0] =	vst v1  }
0x1f: {  	[tilespmem:$0x28E0] =	vst v1  }
0x20: {  	[tilespmem:$0x28F0] =	vst v1  }
0x21: {  	[tilespmem:$0x2900] =	vst v1  }
0x22: {  	[tilespmem:$0x2910] =	vst v1  }
0x23: {  	[tilespmem:$0x2920] =	vst v1  }
0x24: {  	[tilespmem:$0x2930] =	vst v1  }
0x25: {  	[tilespmem:$0x2940] =	vst v1  }
0x26: {  	[tilespmem:$0x2950] =	vst v1  }
0x27: {  	[tilespmem:$0x2960] =	vst v1  }
0x28: {  	[tilespmem:$0x2970] =	vst v1  }
0x29: {  	[tilespmem:$0x2980] =	vst v1  }
0x2a: {  	[tilespmem:$0x2990] =	vst v1  }
0x2b: {  	[tilespmem:$0x29A0] =	vst v1  }
0x2c: {  	[tilespmem:$0x29B0] =	vst v1  }
0x2d: {  	[tilespmem:$0x29C0] =	vst v1  }
0x2e: {  	[tilespmem:$0x29D0] =	vst v1  }
0x2f: {  	[tilespmem:$0x29E0] =	vst v1  }
0x30: {  	[tilespmem:$0x29F0] =	vst v1  }
0x31: {  	[tilespmem:$0x2A00] =	vst v1  }
0x32: {  	[tilespmem:$0x2A10] =	vst v1  }
0x33: {  	[tilespmem:$0x2A20] =	vst v1  }
0x34: {  	[tilespmem:$0x2A30] =	vst v1  }
0x35: {  	[tilespmem:$0x2A40] =	vst v1  }
0x36: {  	[tilespmem:$0x2A50] =	vst v1  }
0x37: {  	[tilespmem:$0x2A60] =	vst v1  }
0x38: {  	[tilespmem:$0x2A70] =	vst v1  }
0x39: {  	[tilespmem:$0x2A80] =	vst v1  }
0x3a: {  	[tilespmem:$0x2A90] =	vst v1  }
0x3b: {  	[tilespmem:$0x2AA0] =	vst v1  }
0x3c: {  	[tilespmem:$0x2AB0] =	vst v1  }
0x3d: {  	[tilespmem:$0x2AC0] =	vst v1  }
0x3e: {  	[tilespmem:$0x2AD0] =	vst v1  }
0x3f: {  	[tilespmem:$0x2AE0] =	vst v1  }
0x40: {  	[tilespmem:$0x2AF0] =	vst v1  }
0x41: {  	[tilespmem:s3], [sflag:$0x1] =	stream.linear.gather [hbm4b:s4+s3], $0x2800, $0x38;
	[tilespmem:$0x2D80] =	vst v63  }
0x42: {  	_ =	swait.ge [sflag:s8], $0x2800  }
0x43: {  	[sflag:s8] =	ssyncset.done $0x0  }
0x44: {  	[sflag:s8] =	ssyncadd.s32 $0xFFFFD800  }
0x45: {  	[spmem:s5] =	stream.linear.scatter [tilespmem:s9], [sflag:$0x1], $0x280, $0x38;
	[tilespmem:$0x2D80] =	vst v63  }
0x46: {  	_ =	swait.ge [sflag:s8], $0x280  }
0x47: {  	[sflag:s8] =	ssyncset.done $0x0  }
0x48: {  	[sflag:s8] =	ssyncadd.s32 $0xFFFFFD80  }
0x49: {  	s17 =	simm.s32 $0x0;
	[bflag:$0x0] =	sbarrier.arrive $0xFFFF  }
0x4a: {  	[spmem:s2] =	stream.indirect.scatter.add.f32 [tilespmem:s11], [sflag:$0x1], $0x1, s17, s10, $0xb8;
	[tilespmem:$0x2D80] =	vst v63  }
0x4b: {  	_ =	swait.ge [sflag:s8], $0x80  }
0x4c: {  	s17 =	simm.s32 $0x200;
	[sflag:s8] =	ssyncset.done $0x0  }
.LBB2_2:
0x4d: {  	s18 =	sshra.s32 s17, $0x2;
	[sflag:s8] =	ssyncadd.s32 $0xFFFFFF80;
	p0 =	sne.s32 s17, $0x9E00  }
0x4e: {  	[spmem:s2] =	stream.indirect.scatter.add.f32 [tilespmem:s11], [sflag:$0x1], $0x1, s18, s10, $0xb8;
	[tilespmem:$0x2D80] =	vst v63  }
.Ltmp0:
0x4f: {  	_ = 	snop;
	(pc) =	sbr.rel @p0 .LBB2_2-.Ltmp0, $4  }
0x50: {  	_ = 	snop  }
0x51: {  	s17 =	sadd.s32 $0x200, s17  }
0x52: {  	_ =	swait.ge [sflag:s8], $0x80  }
0x53: {  	[sflag:s8] =	ssyncset.done $0x0  }
0x54: {  	s16 =	sadd.s32 $0x1, s16  }
0x55: {  	[sflag:s8] =	ssyncadd.s32 $0xFFFFFF80;
	p0 =	sne.s32 s16, s7  }
.Ltmp1:
0x56: {  	[bflag:$0x0] =	sbarrier.arrive $0xFFFF;
	(pc) =	sbr.rel @p0 .LBB2_1-.Ltmp1, $4  }
0x57: {  	[hbm:s6@s14], [sflag:s12] =	dma.strided [spmem:s13@s15], $0x50, s8, $0x10   }
0x58: {  	_ =	swait.ge [sflag:s8], $0x50  }
0x59: {  	[sflag:s8] =	ssyncset.done $0x0  }
0x5a: {  	[sflag:s8] =	ssyncadd.s32 $0xFFFFFFB0  }
0x5b: {  	_ =	sfence.sel $0x180000  }
0x5c: {  	[bflag:$0x0] =	sbarrier.arrive $0xFFFF  }
0x5d: {  	p0 =	sne.s32 s1, $0x0;
	_ =	strace $0x90000047  }
0x5e: {  	s0 =	sadd.s32 @!p0 $0x100000, s0;
	[bflag:$0x2] =	sbarrier.arrive $0xFFFF  }
0x5f: {  	[sflag:s0] =	ssyncadd.tile.s32 @!p0 $0x1;
	_ =	shalt  }
.Lfunc_end2:
_tile_overlayer_lowered:
.L_overlay_start_2:
0x60: {  	(tag) =	ssettag $0x2  }
0x61: {  	s0 =	rddreg [dreg:$0x0];
	s2 =	stileid.u32  }
0x62: {  	s1 =	rddreg [dreg:$0x1];
	p0 =	sne.s32 s2, $0x0  }
0x63: {  	s3 =	rddreg [dreg:$0x2];
	[bflag:$0x3] =	sbarrier.arrive $0xFFFF;
	s2 =	simm.s32 @!p0 $0x1C01  }
0x64: {  	[timem:s3], [sflag:s2] =	dma.local @!p0 [hbm:s0], s1  }
0x65: {  	s0 =	simm.s32 @!p0 $0x1  }
0x66: {  	_ =	swait.ge @!p0 [sflag:s0], s1  }
0x67: {  	s1 =	ssub.s32 @!p0 $0x0, s1;
	[sflag:s0] =	ssyncset.done @!p0 $0x0  }
0x68: {  	[sflag:s0] =	ssyncadd.s32 @!p0 s1  }
0x69: {  	[bflag:$0x3] =	sbarrier.arrive $0xFFFF  }
0x6a: {  	_ =	shalt  }

// kernel: kernel.9.cloned.1.call-start
scs
__scs_entry_jumppad:
0x0: {  	(pc) =	sbr.rel $0x88, $3  }
0x1: {  	(tag) =	ssettag $0x0;
	lr =	simm.s32 $0x1  }
0x2: {  	[smem:$0x3F9D] =	sst lr;
	_ =	strace $0xD0000000  }
0x3: {  	_ = 	snop  }
0x4: {  	_ = 	snop  }
0x5: {  	_ = 	snop  }
0x6: {  	_ = 	snop  }
0x7: {  	_ = 	snop  }
__scs_overlays_trampoline_lowered:
0x8: {  	[smem:$0x3FAC] =	sst s0  }
0x9: {  	[smem:$0x3FAD] =	sst s1  }
0xa: {  	[smem:$0x3FAE] =	sst s2  }
0xb: {  	[smem:$0x3FAF] =	sst s3  }
0xc: {  	[smem:$0x3FB0] =	sst s4  }
0xd: {  	[smem:$0x3FB1] =	sst s5  }
0xe: {  	[smem:$0x3FB2] =	sst s6  }
0xf: {  	[smem:$0x3FB3] =	sst s7  }
0x10: {  	[smem:$0x3FB4] =	sst s8  }
0x11: {  	[smem:$0x3FB5] =	sst s9;
	s0 =	simm.s32 @!p0 $0x0  }
0x12: {  	s1 =	sld [smem:$0x3F9B];
	s0 =	simm.s32 @p0 $0x1  }
0x13: {  	[smem:$0x3FB6] =	sst s0;
	s0 =	simm.s32 @!p1 $0x0  }
0x14: {  	s2 =	sld [smem:$0x3F9A];
	s0 =	simm.s32 @p1 $0x1  }
0x15: {  	[smem:$0x3FB7] =	sst s0;
	s0 =	simm.s32 @!p2 $0x0  }
0x16: {  	s3 =	sld [smem:$0x3FDB];
	s0 =	simm.s32 @p2 $0x1  }
0x17: {  	s4 =	simm.s32 $0x1BF5;
	[smem:$0x3FB9] =	sst s0  }
0x18: {  	s0 =	sld [smem:$0x3F9C];
	_ =	swait.ge [sflag:s4], $0x0  }
0x19: {  	s7 =	sld [smem:$0x3F9D]  }
0x1a: {  	s8 =	sadd.s32 $0xFFFFE003, lr  }
0x1b: {  	s9 =	sadd.s32 $0xFFFFFEF7, lr;
	s5 =	simm.s32 $0xFFFFFFFF;
	p2 =	slt.u32 s8, $0xFFFFF086  }
0x1c: {  	p1 =	slt.u32 s9, $0xF7A;
	s5 =	simm.s32 @!p2 $0x0  }
0x1d: {  	s5 =	simm.s32 @p1 $0x1;
	p0 =	seq.s32 s7, s2  }
0x1e: {  	s7 =	smul.u32 @!p0 $0xF7A, s2;
	p2 =	seq.s32 @!p0 s5, $0x0  }
0x1f: {  	s9 =	smul.u32 $0xF7A, s1;
	s8 =	simm.s32 @!p0 $0x1BF5;
	p2 =	por !p2, p0  }
0x20: {  	[sflag:s8] =	ssyncset.s32 @!p0 $0xFFFFF086;
	s6 =	sadd.s32 @!p0 s3, s7;
	s7 =	simm.s32 @!p0 $0x108  }
0x21: {  	s3 =	sadd.s32 s3, s9;
	s6 =	sadd.s32 @!p0 $0x88, s6;
	s7 =	simm.s32 @p2 $0x1082  }
0x22: {  	[simem:s7], [sflag:s8] =	dma.local @!p0 [hbm:s6], $0xF7A  }
0x23: {  	s9 =	sor.u32 $0xD0000000, s2;
	s6 =	simm.s32 $0x108;
	_ =	swait.ge @!p0 [sflag:s8], $0x0  }
0x24: {  	s3 =	sadd.s32 $0x88, s3;
	s6 =	simm.s32 @!p1 $0x1082;
	[sflag:s4] =	ssyncset.s32 $0xFFFFF086  }
0x25: {  	[simem:s6], [sflag:s4] =	dma.local [hbm:s3], $0xF7A  }
0x26: {  	[smem:$0x3F9D] =	sst s1;
	(tag) =	ssettag s2;
	_ =	strace s9  }
0x27: {  	s1 =	sld [smem:$0x3FAD]  }
0x28: {  	s2 =	sld [smem:$0x3FAE]  }
0x29: {  	s4 =	sld [smem:$0x3FB0]  }
0x2a: {  	p0 =	seq.s32 s5, $0x0;
	s5 =	sld [smem:$0x3FB1]  }
0x2b: {  	s6 =	sld [smem:$0x3FB2]  }
0x2c: {  	s7 =	sld [smem:$0x3FB3]  }
0x2d: {  	s3 =	simm.s32 $0x108;
	s8 =	sld [smem:$0x3FB4]  }
0x2e: {  	s3 =	simm.s32 @!p0 $0x1082;
	s9 =	sld [smem:$0x3FB5]  }
0x2f: {  	lr =	sadd.s32 s0, s3;
	s0 =	sld [smem:$0x3FAC]  }
0x30: {  	s3 =	sld [smem:$0x3FAF]  }
0x31: {  	[smem:$0x3FB8] =	sst s10  }
0x32: {  	s10 =	sld [smem:$0x3FB6];
	_ =	sdelay $0x3  }
0x33: {  	p0 =	seq.s32 s10, $0x1;
	s10 =	sld [smem:$0x3FB8];
	_ =	sdelay $0x3  }
0x34: {  	[smem:$0x3FB8] =	sst s10  }
0x35: {  	s10 =	sld [smem:$0x3FB7];
	_ =	sdelay $0x3  }
0x36: {  	p1 =	seq.s32 s10, $0x1;
	s10 =	sld [smem:$0x3FB8];
	_ =	sdelay $0x3  }
0x37: {  	[smem:$0x3FB8] =	sst s10  }
0x38: {  	s10 =	sld [smem:$0x3FB9]  }
0x39: {  	_ = 	snop;
	(pc) =	sbr.ind lr, $3  }
0x3a: {  	_ = 	snop  }
0x3b: {  	_ = 	snop  }
0x3c: {  	p2 =	seq.s32 s10, $0x1;
	s10 =	sld [smem:$0x3FB8]  }
0x3d: {  	_ =	shalt  }
0x3e: {  	_ =	shalt  }
0x3f: {  	_ =	shalt  }
0x40: {  	_ =	shalt  }
0x41: {  	_ =	shalt  }
0x42: {  	_ =	shalt  }
0x43: {  	_ =	shalt  }
0x44: {  	_ =	shalt  }
0x45: {  	_ =	shalt  }
0x46: {  	_ =	shalt  }
0x47: {  	_ =	shalt  }
0x48: {  	_ =	shalt  }
0x49: {  	_ =	shalt  }
0x4a: {  	_ =	shalt  }
0x4b: {  	_ =	shalt  }
0x4c: {  	_ =	shalt  }
0x4d: {  	_ =	shalt  }
0x4e: {  	_ =	shalt  }
0x4f: {  	_ =	shalt  }
0x50: {  	_ =	shalt  }
0x51: {  	_ =	shalt  }
0x52: {  	_ =	shalt  }
0x53: {  	_ =	shalt  }
0x54: {  	_ =	shalt  }
0x55: {  	_ =	shalt  }
0x56: {  	_ =	shalt  }
0x57: {  	_ =	shalt  }
0x58: {  	_ =	shalt  }
0x59: {  	_ =	shalt  }
0x5a: {  	_ =	shalt  }
0x5b: {  	_ =	shalt  }
0x5c: {  	_ =	shalt  }
0x5d: {  	_ =	shalt  }
0x5e: {  	_ =	shalt  }
0x5f: {  	_ =	shalt  }
0x60: {  	_ =	shalt  }
0x61: {  	_ =	shalt  }
0x62: {  	_ =	shalt  }
0x63: {  	_ =	shalt  }
0x64: {  	_ =	shalt  }
0x65: {  	_ =	shalt  }
0x66: {  	_ =	shalt  }
0x67: {  	_ =	shalt  }
0x68: {  	_ =	shalt  }
0x69: {  	_ =	shalt  }
0x6a: {  	_ =	shalt  }
0x6b: {  	_ =	shalt  }
0x6c: {  	_ =	shalt  }
0x6d: {  	_ =	shalt  }
0x6e: {  	_ =	shalt  }
0x6f: {  	_ =	shalt  }
0x70: {  	_ =	shalt  }
0x71: {  	_ =	shalt  }
0x72: {  	_ =	shalt  }
0x73: {  	_ =	shalt  }
0x74: {  	_ =	shalt  }
0x75: {  	_ =	shalt  }
0x76: {  	_ =	shalt  }
0x77: {  	_ =	shalt  }
0x78: {  	_ =	shalt  }
0x79: {  	_ =	shalt  }
0x7a: {  	_ =	shalt  }
0x7b: {  	_ =	shalt  }
0x7c: {  	_ =	shalt  }
0x7d: {  	_ =	shalt  }
0x7e: {  	_ =	shalt  }
0x7f: {  	_ =	shalt  }
0x80: {  	_ =	shalt  }
0x81: {  	_ =	shalt  }
0x82: {  	_ =	shalt  }
0x83: {  	_ =	shalt  }
0x84: {  	_ =	shalt  }
0x85: {  	_ =	shalt  }
0x86: {  	_ =	shalt  }
0x87: {  	_ =	shalt  }
.Lfunc_end0:
.L_simem_size_0:
called_computation.1_lowered:
.L_overlay_start_0:
0x88: {  	s2 =	sld [smem:$0x3FD9]  }
0x89: {  	s3 =	sld [smem:$0x3FFE];
	_ =	sdelay $0x1  }
0x8a: {  	s1 =	srdreg.scid  }
0x8b: {  	s0 =	sand.u32 $0x1, s1  }
0x8c: {  	s17 =	sshll.u32 s0, $0xA;
	s2 =	sadd.s32 s3, s2  }
0x8d: {  	s2 =	sadd.s32 s2, s17  }
0x8e: {  	[smem:$0x3FC4] =	sst s2  }
0x8f: {  	_ = 	snop  }
0x90: {  	s2 =	sld [smem:$0x3FD0];
	(tm) =	ssettm $0x1  }
0x91: {  	s18 =	sld [smem:$0x3FFB];
	_ =	sdelay $0x3  }
0x92: {  	_ =	strace s18  }
0x93: {  	s3 =	sld [smem:$0x3FFC];
	_ =	sdelay $0x3  }
0x94: {  	_ =	strace s3  }
0x95: {  	s3 =	sld [smem:$0x3FFD];
	_ =	sdelay $0x3  }
0x96: {  	_ =	strace s3  }
0x97: {  	_ =	strace $0x8FFFFFFF  }
0x98: {  	s19 =	sld [smem:$0x3FDB];
	_ =	sdelay $0x1  }
0x99: {  	s4 =	simm.s32 $_scs_section_size  }
0x9a: {  	s5 =	simm.s32 $_size__tile_overlayer_lowered;
	s6 =	simm.s32 $_tile_overlayer_lowered  }
0x9b: {  	s22 =	simm.s32 $0x1BFF;
	s21 =	sshll.u32 s6, $0x1;
	s3 =	sadd.s32 s4, s19  }
0x9c: {  	s7 =	simm.s32 $0x0;
	s20 =	sshll.u32 s5, $0x1;
	s5 =	sadd.s32 s21, s3  }
0x9d: {  	[timem:s7], [sflag:s22] =	dma.local [hbm:s5], s20  }
0x9e: {  	_ =	swait.ge [sflag:s22], s20  }
0x9f: {  	s4 =	ssub.s32 $0x0, s20;
	[sflag:s22] =	ssyncset.done $0x0  }
0xa0: {  	[sflag:s22] =	ssyncadd.s32 s4;
	_ =	sdelay $0x1  }
0xa1: {  	s23 =	simm.s32 $0x1B8B  }
0xa2: {  	_ =	swait.ge [sflag:s23], $0x1  }
0xa3: {  	[sflag:s23] =	ssyncset.done $0x0  }
0xa4: {  	s25 =	simm.s32 $0x1B8E;
	s24 =	sld [smem:$0x3FFE];
	[sflag:s23] =	ssyncadd.s32 $0xFFFFFFFF  }
0xa5: {  	s26 =	simm.s32 $execute0_lowered;
	[smem:$0x3FD2] =	sst s25  }
0xa6: {  	s5 =	sshll.u32 s26, $0x1;
	_ =	strace $0x80000049;
	[dreg:$0x1] =	wrdreg $0xFFFFFFFF  }
0xa7: {  	s28 =	simm.s32 $_size_execute0_lowered;
	s3 =	sadd.s32 s3, s5;
	[dreg:$0x0] =	wrdreg $0x0  }
0xa8: {  	s5 =	sshll.u32 s28, $0x1;
	[dreg:$0x2] =	wrdreg s3  }
0xa9: {  	[dreg:$0x3] =	wrdreg s5  }
0xaa: {  	[dreg:$0x4] =	wrdreg $0xC0  }
0xab: {  	_ =	task [dreg:s7], $0x5FFFF  }
0xac: {  	[dreg:$0x1] =	wrdreg $0xFFFFFFFF  }
0xad: {  	[dreg:$0x0] =	wrdreg $0x60  }
0xae: {  	[dreg:$0x2] =	wrdreg s24  }
0xaf: {  	[dreg:$0x3] =	wrdreg s2  }
0xb0: {  	[dreg:$0x4] =	wrdreg $0xA8000  }
0xb1: {  	[dreg:$0x5] =	wrdreg $0x9  }
0xb2: {  	_ =	task.clear_ibuf [dreg:s7], $0x6FFFF;
	_ =	strace $0x90000049  }
0xb3: {  	s29 =	simm.s32 $0x9;
	_ =	strace $0x8000004B  }
0xb4: {  	_ =	swait.ge [sflag:s29], $0x1  }
0xb5: {  	[sflag:s29] =	ssyncadd.s32 $0xFFFFFFFF  }
0xb6: {  	_ =	strace $0x9000004B  }
0xb7: {  	_ =	sfence  }
0xb8: {  	s30 =	sld [smem:$0x0];
	_ =	sdelay $0x2  }
0xb9: {  	s31 =	sshll.u32 s1, $0xD;
	s1 =	sshrl.u32 s1, $0x2  }
0xba: {  	s3 =	sand.u32 $0x4000, s31;
	s1 =	sadd.s32 s1, s30  }
0xbb: {  	s0 =	sor.u32 s3, s0;
	s1 =	sshll.u32 s1, $0x11  }
0xbc: {  	s0 =	sor.u32 s1, s0  }
0xbd: {  	s0 =	sadd.s32 $0x8F2B, s0  }
0xbe: {  	[sflag:s0] =	ssyncadd.remote.s32 $0x1  }
0xbf: {  	_ =	sfence.sel $0xFFFF  }
0xc0: {  	[dreg:$0x0] =	wrdreg $0xFFFFFFFF;
	(pc) =	sbr.abs _section_cstart, $3  }
0xc1: {  	[dreg:$0x1] =	wrdreg $0xFFFFFFFF  }
0xc2: {  	_ =	task.clear_ibuf [dreg:s7], $0x2FFFF;
	_ =	strace $0x9FFFFFFF  }
0xc3: {  	(tm) =	ssettm $0x7FFFFFFF  }
tec
execute0_lowered:
.L_overlay_start_1:
0x0: {  	(tag) =	ssettag $0x1  }
0x1: {  	s5 =	rddreg [dreg:$0x0]  }
0x2: {  	s1 =	rddreg [dreg:$0x1]  }
0x3: {  	s3 =	rddreg [dreg:$0x2]  }
0x4: {  	s2 =	srdreg.scid;
	s0 =	stileid.u32;
	s4 =	simm.s32 $0x0  }
0x5: {  	s15 =	simm.s32 $0x40;
	s16 =	simm.s32 $0x2000;
	s18 =	simm.s32 $0x4000  }
0x6: {  	s19 =	simm.s32 $0x100;
	s20 =	simm.s32 $0x6000;
	s21 =	simm.s32 $0x180  }
0x7: {  	s22 =	simm.s32 $0x8000;
	s23 =	simm.s32 $0x1;
	s8 =	smul.u32 $0x14000, s0  }
0x8: {  	s24 =	simm.s32 $0x3;
	s25 =	simm.s32 $0x4;
	s10 =	smul.u32 $0x50000, s0  }
0x9: {  	s6 =	sand.u32 $0x1, s2;
	s9 =	sshll.u32 s0, $0x1;
	s12 =	smul.u32 $0xA000, s0  }
0xa: {  	[smem:$0x7FF] =	sst s4;
	s11 =	sadd.s32 $0x2800, s5;
	s7 =	smul.u32 $0x140000, s6  }
0xb: {  	s9 =	sor.u32 s6, s9;
	s26 =	ssub.s32 $0x2, s6;
	s6 =	smul.u32 $0x5000, s6  }
0xc: {  	_ =	strace $0x8000004A;
	s9 =	smul.u32 $0x5000, s9;
	s13 =	sshrl.u32 s26, $0x1  }
0xd: {  	s29 =	sshrl.u32 s10, $0x2;
	s7 =	sadd.s32 s8, s7;
	s13 =	ssub.s32 s26, s13  }
0xe: {  	s30 =	sadd.s32 s6, s12;
	s6 =	sadd.s32 s29, s3;
	s7 =	sshrl.u32 s7, $0x3  }
.Ltmp0:
0xf: {  	s28 =	sshrl.u32 s9, $0x3;
	s31 =	sadd.s32 $0xA0600, s30;
	(pc) =	sbr.rel .LBB2_1-.Ltmp0, $4  }
0x10: {  	s12 =	sor.u32 $0x600, s30;
	s9 =	smax.u32 s13, $0x1;
	s13 =	simm.s32 $0x5  }
0x11: {  	s14 =	sadd.s32 s7, s5;
	s5 =	sadd.s32 s11, s28;
	s10 =	sshrl.u32 s31, $0x3  }
0x12: {  	s12 =	sshrl.u32 s12, $0x3;
	s7 =	sadd.s32 $0x14000, s5;
	s8 =	sadd.s32 $0x2A800, s14  }
0x13: {  	v0 =	vimm.f32 $0.0e+00;
	s10 =	sadd.s32 s10, s11;
	s11 =	sadd.s32 s12, s11;
	s12 =	simm.s32 $0xA000  }
.LBB2_8:
0x14: {  	_ =	swait.ge [sflag:s25], $0x2000  }
0x15: {  	[sflag:s25] =	ssyncset.done $0x0  }
0x16: {  	[sflag:s25] =	ssyncadd.s32 $0xFFFFE000  }
0x17: {  	[spmem:s3] =	stream.indirect.scatter.add.f32 [tilespmem:s22], [sflag:$0x5], $0x80, s31, s15, $0xb8;
	[tilespmem:$0x1E800] =	vst v63  }
0x18: {  	s0 =	stileid.u32;
	_ =	swait.ge [sflag:s13], $0x2000  }
0x19: {  	s2 =	sshrl.u32 s6, $0x3;
	s4 =	sadd.s32 $0x1, s4;
	[sflag:s13] =	ssyncset.done $0x0  }
0x1a: {  	s0 =	sshll.u32 s0, $0x6;
	p0 =	sne.s32 s4, s9;
	[sflag:s13] =	ssyncadd.s32 $0xFFFFE000  }
.Ltmp1:
0x1b: {  	s0 =	sor.u32 $0x1C05, s0;
	[bflag:$0x0] =	sbarrier.arrive $0xFFFF;
	(pc) =	sbr.rel @!p0 .LBB2_9-.Ltmp1, $4  }
0x1c: {  	[hbm:s8], [sflag:s0] =	dma.local [spmem:s2], $0x2800  }
0x1d: {  	_ =	swait.ge [sflag:s13], $0x2800  }
0x1e: {  	[sflag:s13] =	ssyncset.done $0x0  }
0x1f: {  	[sflag:s13] =	ssyncadd.s32 $0xFFFFD800  }
.LBB2_1:
0x20: {  	s26 =	simm.s32 $0x0;
	s28 =	simm.s32 $0x0  }
.LBB2_2:
0x21: {  	p0 =	sne.s32 s28, $0x1FC0  }
.Ltmp2:
0x22: {  	_ = 	snop;
	(pc) =	sbr.rel @p0 .LBB2_2-.Ltmp2, $4  }
0x23: {  	s29 =	sand.u32 $0x1E00, s28  }
0x24: {  	s30 =	sand.u32 $0x70, s26;
	s29 =	sshrl.u32 s29, $0x2  }
0x25: {  	s29 =	sor.u32 s30, s29  }
0x26: {  	s26 =	sadd.s32 $0x10, s26;
	s28 =	sadd.s32 $0x40, s28;
	[tilespmem:s29+$0xA000] =	vst v0  }
0x27: {  	s26 =	sadd.s32 $0x0, s6  }
0x28: {  	[spmem:s26] =	stream.linear.scatter [tilespmem:s12], [sflag:$0x5], $0x800, $0x38;
	[tilespmem:$0x1E800] =	vst v63  }
0x29: {  	s26 =	simm.s32 $0x2000;
	_ =	swait.ge [sflag:s13], $0x800  }
.LBB2_4:
0x2a: {  	s28 =	sshra.s32 s26, $0x2;
	[sflag:s13] =	ssyncset.done $0x0;
	p0 =	sne.s32 s26, $0x4E000  }
.Ltmp3:
0x2b: {  	s28 =	sadd.s32 s28, s6;
	[sflag:s13] =	ssyncadd.s32 $0xFFFFF800;
	(pc) =	sbr.rel @p0 .LBB2_4-.Ltmp3, $3  }
0x2c: {  	[spmem:s28] =	stream.linear.scatter [tilespmem:s12], [sflag:$0x5], $0x800, $0x38;
	[tilespmem:$0x1E800] =	vst v63  }
0x2d: {  	s26 =	sadd.s32 $0x2000, s26;
	_ =	sdelay $0x1  }
0x2e: {  	_ =	swait.ge [sflag:s13], $0x800  }
0x2f: {  	[sflag:s13] =	ssyncset.done $0x0  }
0x30: {  	[sflag:s13] =	ssyncadd.s32 $0xFFFFF800  }
0x31: {  	s26 =	simm.s32 $0x0;
	[bflag:$0x0] =	sbarrier.arrive $0xFFFF  }
0x32: {  	[tilespmem:s26], [sflag:$0x5] =	stream.linear.gather [hbm4b:s5+s26], $0x800, $0x38;
	[tilespmem:$0x1E800] =	vst v63  }
0x33: {  	_ =	swait.ge [sflag:s13], $0x800  }
0x34: {  	[sflag:s13] =	ssyncset.done $0x0  }
0x35: {  	s0 =	simm.s32 $0x1000;
	[sflag:s13] =	ssyncadd.s32 $0xFFFFF800  }
0x36: {  	[tilespmem:s0], [sflag:$0x5] =	stream.linear.gather [hbm4b:s7+s26], $0x800, $0x38;
	[tilespmem:$0x1E800] =	vst v63  }
0x37: {  	_ =	swait.ge [sflag:s13], $0x800  }
0x38: {  	[sflag:s13] =	ssyncset.done $0x0  }
0x39: {  	[sflag:s13] =	ssyncadd.s32 $0xFFFFF800  }
0x3a: {  	[tilespmem:s16], [sflag:$0x1] =	stream.indirect.gather [hbm4b:s1+s15], $0x80, s26, s15, $0xb8;
	[tilespmem:$0x1E800] =	vst v63  }
0x3b: {  	s31 =	simm.s32 $0x80  }
0x3c: {  	[tilespmem:s18], [sflag:$0x2] =	stream.indirect.gather [hbm4b:s1+s15], $0x80, s31, s15, $0xb8;
	[tilespmem:$0x1E800] =	vst v63  }
0x3d: {  	_ = 	snop  }
0x3e: {  	[tilespmem:s20], [sflag:$0x3] =	stream.indirect.gather [hbm4b:s1+s15], $0x80, s19, s15, $0xb8;
	[tilespmem:$0x1E800] =	vst v63  }
0x3f: {  	s28 =	smov.u32 s11;
	s29 =	smov.u32 s10;
	s30 =	simm.s32 $0x0  }
0x40: {  	[tilespmem:s22], [sflag:$0x4] =	stream.indirect.gather [hbm4b:s1+s15], $0x80, s21, s15, $0xb8;
	[tilespmem:$0x1E800] =	vst v63  }
.LBB2_6:
0x41: {  	s31 =	sand.u32 $0x3, s30;
	p0 =	sgt.u32 s30, $0x24  }
0x42: {  	p1 =	sne.s32 @!p0 s31, $0x1  }
0x43: {  	p0 =	por p1, p0  }
0x44: {  	s31 =	sadd.s32 @!p0 $0x600, s26  }
0x45: {  	s0 =	simm.s32 @!p0 $0x0;
	s2 =	simm.s32 @!p0 $0x5;
	s31 =	sand.u32 @!p0 $0x800, s31  }
0x46: {  	[tilespmem:s31], [sflag:$0x5] =	stream.linear.gather @!p0 [hbm4b:s28+s0], $0x800, $0x38;
	[tilespmem:$0x1E800] =	vst v63  }
0x47: {  	_ =	swait.ge @!p0 [sflag:s2], $0x800  }
0x48: {  	[sflag:s2] =	ssyncset.done @!p0 $0x0  }
0x49: {  	s31 =	sor.u32 @!p0 $0x1000, s31;
	[sflag:s2] =	ssyncadd.s32 @!p0 $0xFFFFF800  }
0x4a: {  	[tilespmem:s31], [sflag:$0x5] =	stream.linear.gather @!p0 [hbm4b:s29+s0], $0x800, $0x38;
	[tilespmem:$0x1E800] =	vst v63  }
0x4b: {  	_ =	swait.ge @!p0 [sflag:s2], $0x800  }
0x4c: {  	[sflag:s2] =	ssyncset.done @!p0 $0x0  }
0x4d: {  	[sflag:s2] =	ssyncadd.s32 @!p0 $0xFFFFF800  }
0x4e: {  	_ =	swait.ge [sflag:s23], $0x2000  }
0x4f: {  	s14 =	sand.u32 $0xE00, s26;
	[sflag:s23] =	ssyncset.done $0x0  }
0x50: {  	s0 =	sor.u32 $0x1000, s14;
	[sflag:s23] =	ssyncadd.s32 $0xFFFFE000  }
0x51: {  	[spmem:s3] =	stream.indirect.scatter.add.f32 [tilespmem:s16], [sflag:$0x5], $0x80, s0, s15, $0xb8;
	[tilespmem:$0x1E800] =	vst v63  }
0x52: {  	_ =	swait.ge [sflag:s13], $0x2000  }
0x53: {  	p0 =	seq.s32 s26, $0x4E00;
	[sflag:s13] =	ssyncset.done $0x0  }
0x54: {  	s2 =	simm.s32 @p0 $0x2;
	[sflag:s13] =	ssyncadd.s32 $0xFFFFE000  }
0x55: {  	_ =	swait.ge @p0 [sflag:s2], $0x2000  }
0x56: {  	s31 =	simm.s32 @p0 $0x40;
	[sflag:s2] =	ssyncset.done @p0 $0x0  }
0x57: {  	s14 =	simm.s32 @p0 $0x4000;
	[sflag:s2] =	ssyncadd.s32 @p0 $0xFFFFE000;
	s2 =	sadd.s32 @p0 $0x80, s0  }
0x58: {  	[spmem:s3] =	stream.indirect.scatter.add.f32 @p0 [tilespmem:s14], [sflag:$0x5], $0x80, s2, s31, $0xb8;
	[tilespmem:$0x1E800] =	vst v63  }
0x59: {  	s2 =	simm.s32 @p0 $0x5  }
0x5a: {  	_ =	swait.ge @p0 [sflag:s2], $0x2000  }
0x5b: {  	[sflag:s2] =	ssyncset.done @p0 $0x0  }
0x5c: {  	[sflag:s2] =	ssyncadd.s32 @p0 $0xFFFFE000;
	s2 =	sadd.s32 @!p0 $0x200, s26  }
0x5d: {  	s14 =	simm.s32 @!p0 $0x40;
	s31 =	simm.s32 @!p0 $0x2000;
	s2 =	sand.u32 @!p0 $0xE00, s2  }
0x5e: {  	[tilespmem:s31], [sflag:$0x1] =	stream.indirect.gather @!p0 [hbm4b:s1+s14], $0x80, s2, s14, $0xb8;
	[tilespmem:$0x1E800] =	vst v63  }
0x5f: {  	s2 =	simm.s32 @!p0 $0x2  }
0x60: {  	_ =	swait.ge @!p0 [sflag:s2], $0x2000  }
0x61: {  	[sflag:s2] =	ssyncset.done @!p0 $0x0  }
0x62: {  	s31 =	simm.s32 @!p0 $0x4000;
	[sflag:s2] =	ssyncadd.s32 @!p0 $0xFFFFE000;
	s2 =	sadd.s32 @!p0 $0x80, s0  }
0x63: {  	[spmem:s3] =	stream.indirect.scatter.add.f32 @!p0 [tilespmem:s31], [sflag:$0x5], $0x80, s2, s14, $0xb8;
	[tilespmem:$0x1E800] =	vst v63  }
0x64: {  	s2 =	simm.s32 @!p0 $0x5  }
0x65: {  	_ =	swait.ge @!p0 [sflag:s2], $0x2000  }
0x66: {  	s17 =	sadd.s32 @!p0 $0x280, s26;
	[sflag:s2] =	ssyncset.done @!p0 $0x0  }
0x67: {  	[sflag:s2] =	ssyncadd.s32 @!p0 $0xFFFFE000;
	s2 =	sand.u32 @!p0 $0xE80, s17  }
0x68: {  	[tilespmem:s31], [sflag:$0x2] =	stream.indirect.gather @!p0 [hbm4b:s1+s14], $0x80, s2, s14, $0xb8;
	[tilespmem:$0x1E800] =	vst v63  }
0x69: {  	_ =	swait.ge [sflag:s24], $0x2000  }
0x6a: {  	[sflag:s24] =	ssyncset.done $0x0  }
.Ltmp4:
0x6b: {  	s17 =	sadd.s32 $0x100, s0;
	[sflag:s24] =	ssyncadd.s32 $0xFFFFE000;
	(pc) =	sbr.rel @p0 .LBB2_8-.Ltmp4, $4  }
0x6c: {  	[spmem:s3] =	stream.indirect.scatter.add.f32 [tilespmem:s20], [sflag:$0x5], $0x80, s17, s15, $0xb8;
	[tilespmem:$0x1E800] =	vst v63  }
0x6d: {  	_ =	swait.ge [sflag:s13], $0x2000  }
0x6e: {  	[sflag:s13] =	ssyncset.done $0x0  }
0x6f: {  	s31 =	sadd.s32 $0x180, s0;
	[sflag:s13] =	ssyncadd.s32 $0xFFFFE000  }
0x70: {  	s0 =	sadd.s32 $0x300, s26  }
0x71: {  	s0 =	sand.u32 $0xF00, s0  }
0x72: {  	[tilespmem:s20], [sflag:$0x3] =	stream.indirect.gather [hbm4b:s1+s15], $0x80, s0, s15, $0xb8;
	[tilespmem:$0x1E800] =	vst v63  }
0x73: {  	_ =	swait.ge [sflag:s25], $0x2000  }
0x74: {  	[sflag:s25] =	ssyncset.done $0x0  }
0x75: {  	[sflag:s25] =	ssyncadd.s32 $0xFFFFE000  }
0x76: {  	[spmem:s3] =	stream.indirect.scatter.add.f32 [tilespmem:s22], [sflag:$0x5], $0x80, s31, s15, $0xb8;
	[tilespmem:$0x1E800] =	vst v63  }
.Ltmp5:
0x77: {  	_ = 	snop;
	(pc) =	sbr.rel .LBB2_6-.Ltmp5, $4  }
0x78: {  	s30 =	sadd.s32 $0x1, s30;
	s29 =	sadd.s32 $0x40, s29;
	_ =	swait.ge [sflag:s13], $0x2000  }
0x79: {  	s28 =	sadd.s32 $0x40, s28;
	s31 =	sadd.s32 $0x380, s26;
	[sflag:s13] =	ssyncset.done $0x0  }
0x7a: {  	s26 =	sadd.s32 $0x200, s26;
	s0 =	sand.u32 $0xF80, s31;
	[sflag:s13] =	ssyncadd.s32 $0xFFFFE000  }
0x7b: {  	[tilespmem:s22], [sflag:$0x4] =	stream.indirect.gather [hbm4b:s1+s15], $0x80, s0, s15, $0xb8;
	[tilespmem:$0x1E800] =	vst v63  }
.LBB2_9:
0x7c: {  	_ =	sfence.sel $0x180000  }
0x7d: {  	[bflag:$0x0] =	sbarrier.arrive $0xFFFF  }
0x7e: {  	_ =	strace $0x9000004A  }
0x7f: {  	s0 =	stileid.u32;
	[bflag:$0x2] =	sbarrier.arrive $0xFFFF  }
0x80: {  	p0 =	sne.s32 s0, $0x0;
	s0 =	rddreg [dreg:$0x3]  }
0x81: {  	s0 =	sadd.s32 @!p0 $0x100000, s0  }
0x82: {  	[sflag:s0] =	ssyncadd.tile.s32 @!p0 $0x1;
	_ =	shalt  }
.Lfunc_end2:
_tile_overlayer_lowered:
.L_overlay_start_2:
0x83: {  	(tag) =	ssettag $0x2  }
0x84: {  	s0 =	rddreg [dreg:$0x0];
	s2 =	stileid.u32  }
0x85: {  	s1 =	rddreg [dreg:$0x1];
	p0 =	sne.s32 s2, $0x0  }
0x86: {  	s3 =	rddreg [dreg:$0x2];
	[bflag:$0x3] =	sbarrier.arrive $0xFFFF;
	s2 =	simm.s32 @!p0 $0x1C05  }
0x87: {  	[timem:s3], [sflag:s2] =	dma.local @!p0 [hbm:s0], s1  }
0x88: {  	s0 =	simm.s32 @!p0 $0x5  }
0x89: {  	_ =	swait.ge @!p0 [sflag:s0], s1  }
0x8a: {  	s1 =	ssub.s32 @!p0 $0x0, s1;
	[sflag:s0] =	ssyncset.done @!p0 $0x0  }
0x8b: {  	[sflag:s0] =	ssyncadd.s32 @!p0 s1  }
0x8c: {  	[bflag:$0x3] =	sbarrier.arrive $0xFFFF  }
0x8d: {  	_ =	shalt  }

</sc_bundles>
